<compile_context>
chip_gen: v7x
topology: tpu7x:2x2x1
jax: 0.10.2.dev20260603
libtpu: 0.0.44.dev20260713+nightly
codegen_flags: <defaults>
</compile_context>

<pallas_src>
import functools
import jax
import jax.numpy as jnp
from jax import lax
from jax.experimental import pallas as pl
from jax.experimental.pallas import tpu as pltpu, tpu_sc as plsc

_K = 8
_LAMBDA_TEXT = 0.5
_LAMBDA_STICK = 2.0
_LAMBDA_SMOOTH = 0.1

_NC, _NS, _L = 2, 16, 16
_NW = _NC * _NS

_TC_SMOOTH_ROWS = 1536
_R = 256


def _tc_body(p_rows_ref, pt_ref, p0t_ref, z3_ref, zt_ref,
             out_ref, colmin_ref, acc_ref, facc_ref, sacc_ref):
    b = pl.program_id(0)
    t = pl.program_id(1)
    T = pl.num_programs(1)
    B = pl.num_programs(0)
    p_tile = p_rows_ref[0]
    pt = pt_ref[0]
    p0t = p0t_ref[0]
    R = p_tile.shape[0]
    N = pt.shape[1]

    px = p_tile[:, 0:1]
    py = p_tile[:, 1:2]
    pz = p_tile[:, 2:3]
    dx = px - p0t[0:1, :]
    dy = py - p0t[1:2, :]
    dz = pz - p0t[2:3, :]
    d0 = dx * dx + dy * dy + dz * dz

    @pl.when((b == 0) & (t == 0))
    def _():
        acc_ref[1] = 0.0
        acc_ref[3] = 0.0
        facc_ref[...] = jnp.zeros_like(facc_ref)
        sacc_ref[...] = jnp.zeros_like(sacc_ref)

    facc_ref[...] += jnp.min(d0, axis=1, keepdims=True)
    cm = jnp.min(d0, axis=0, keepdims=True)

    @pl.when(t == 0)
    def _():
        colmin_ref[...] = cm

    @pl.when(t > 0)
    def _():
        colmin_ref[...] = jnp.minimum(colmin_ref[...], cm)

    @pl.when(t == T - 1)
    def _():
        acc_ref[1] += jnp.sum(colmin_ref[...])

    @pl.when(t < _TC_SMOOTH_ROWS // R)
    def _():
        sx = px - pt[0:1, :]
        sy = py - pt[1:2, :]
        sz = pz - pt[2:3, :]
        ds = sx * sx + sy * sy + sz * sz
        row_ids = t * R + lax.broadcasted_iota(jnp.int32, (R, N), 0)
        col_ids = lax.broadcasted_iota(jnp.int32, (R, N), 1)
        ds = jnp.where(row_ids == col_ids, ds + 1.0e6, ds)

        work = ds
        for _ in range(_K - 1):
            m = jnp.min(work, axis=1, keepdims=True)
            work = jnp.where(work <= m, jnp.inf, work)
        t8 = jnp.min(work, axis=1, keepdims=True)

        maskf = (ds <= t8).astype(jnp.float32)
        count = jnp.sum(maskf, axis=1, keepdims=True)
        nx = jnp.sum(maskf * pt[0:1, :], axis=1, keepdims=True)
        ny = jnp.sum(maskf * pt[1:2, :], axis=1, keepdims=True)
        nz = jnp.sum(maskf * pt[2:3, :], axis=1, keepdims=True)
        ex = px - nx / count
        ey = py - ny / count
        ez = pz - nz / count
        sacc_ref[...] += ex * ex + ey * ey + ez * ez

    @pl.when(t == 0)
    def _():
        z3 = z3_ref[...]
        zt = zt_ref[...]
        n3 = jnp.maximum(jnp.sqrt(jnp.sum(z3 * z3)), 1.0e-12)
        nt = jnp.maximum(jnp.sqrt(jnp.sum(zt * zt)), 1.0e-12)
        acc_ref[3] += jnp.sum(z3 * zt) / (n3 * nt)

    @pl.when((b == B - 1) & (t == T - 1))
    def _():
        out_ref[0, 0] = jnp.sum(facc_ref[...])
        out_ref[0, 1] = acc_ref[1]
        out_ref[0, 2] = jnp.sum(sacc_ref[...])
        out_ref[0, 3] = acc_ref[3]


def _tc_part(P, PT, P0, z_3d, z_text):
    B, N, _ = P.shape
    T = N // _R
    P0T = P0.transpose(0, 2, 1)
    scalar_spec = pl.BlockSpec((1, 4), lambda b, t: (0, 0),
                               memory_space=pltpu.SMEM)
    return pl.pallas_call(
        _tc_body,
        grid=(B, T),
        in_specs=[
            pl.BlockSpec((1, _R, 3), lambda b, t: (b, t, 0)),
            pl.BlockSpec((1, 3, N), lambda b, t: (b, 0, 0)),
            pl.BlockSpec((1, 3, N), lambda b, t: (b, 0, 0)),
            pl.BlockSpec((1, 1, z_3d.shape[1]), lambda b, t: (b, 0, 0)),
            pl.BlockSpec((1, 1, z_text.shape[1]), lambda b, t: (b, 0, 0)),
        ],
        out_specs=[scalar_spec],
        out_shape=[jax.ShapeDtypeStruct((1, 4), jnp.float32)],
        scratch_shapes=[pltpu.VMEM((1, N), jnp.float32),
                        pltpu.SMEM((4,), jnp.float32),
                        pltpu.VMEM((_R, 1), jnp.float32),
                        pltpu.VMEM((_R, 1), jnp.float32)],
        compiler_params=pltpu.CompilerParams(
            dimension_semantics=("arbitrary", "arbitrary"),
        ),
    )(P, PT, P0T, z_3d[:, None, :], z_text[:, None, :])


def _make_sc_smooth(B, N):
    M = N - _TC_SMOOTH_ROWS
    PPB = _NW // B
    RPW = M // PPB
    CH = N // _L
    mesh = plsc.VectorSubcoreMesh(core_axis_name="c", subcore_axis_name="s")

    @functools.partial(
        pl.kernel,
        out_type=jax.ShapeDtypeStruct((_NW, _L), jnp.float32),
        mesh=mesh,
        scratch_types=[
            pltpu.VMEM((N,), jnp.float32),
            pltpu.VMEM((N,), jnp.float32),
            pltpu.VMEM((N,), jnp.float32),
            pltpu.VMEM((CH, _L), jnp.float32),
            pltpu.VMEM((_L,), jnp.float32),
        ],
        compiler_params=pltpu.CompilerParams(needs_layout_passes=False),
    )
    def sc_smooth(pt_hbm, out_hbm, pxv, pyv, pzv, dbuf, accv):
        wid = lax.axis_index("s") * _NC + lax.axis_index("c")
        b = wid // PPB
        part = wid % PPB
        pltpu.sync_copy(pt_hbm.at[b * 3], pxv)
        pltpu.sync_copy(pt_hbm.at[b * 3 + 1], pyv)
        pltpu.sync_copy(pt_hbm.at[b * 3 + 2], pzv)
        base = _TC_SMOOTH_ROWS + part * RPW

        lane_ids = jnp.arange(_L, dtype=jnp.int32)
        inf = jnp.full((_L,), jnp.inf)

        def row_body(r, acc):
            g0 = base + (r // _L) * _L
            onehot = lane_ids == jnp.full((_L,), r % _L, dtype=jnp.int32)
            gx = pxv[pl.ds(g0, _L)]
            gy = pyv[pl.ds(g0, _L)]
            gz = pzv[pl.ds(g0, _L)]
            qx = jnp.full((_L,), jnp.sum(jnp.where(onehot, gx, 0.0)))
            qy = jnp.full((_L,), jnp.sum(jnp.where(onehot, gy, 0.0)))
            qz = jnp.full((_L,), jnp.sum(jnp.where(onehot, gz, 0.0)))

            pxv[pl.ds(g0, _L)] = jnp.where(onehot, inf, gx)

            def ch_body(c, ts):
                kx = pxv[pl.ds(c * _L, _L)]
                ky = pyv[pl.ds(c * _L, _L)]
                kz = pzv[pl.ds(c * _L, _L)]
                dx = qx - kx
                dy = qy - ky
                dz = qz - kz
                d = dx * dx + dy * dy + dz * dz
                dbuf[c] = d
                x = d
                out = []
                for t in ts:
                    lo = jnp.minimum(t, x)
                    x = jnp.maximum(t, x)
                    out.append(lo)
                return tuple(out)

            ts = lax.fori_loop(0, CH, ch_body, (inf,) * _K)

            work = list(ts)
            th = None
            for i in range(_K):
                m = work[0]
                for w in work[1:]:
                    m = jnp.minimum(m, w)
                s = jnp.min(m)
                if i < _K - 1:
                    sv = jnp.full((_L,), s)
                    work = [jnp.where(w <= sv, jnp.inf, w) for w in work]
                else:
                    th = s
            thv = jnp.full((_L,), th)

            def p2_body(c, carry):
                sx, sy, sz, cnt = carry
                d = dbuf[c]
                kx = pxv[pl.ds(c * _L, _L)]
                ky = pyv[pl.ds(c * _L, _L)]
                kz = pzv[pl.ds(c * _L, _L)]
                msk = d <= thv
                sx = sx + jnp.where(msk, kx, 0.0)
                sy = sy + jnp.where(msk, ky, 0.0)
                sz = sz + jnp.where(msk, kz, 0.0)
                cnt = cnt + jnp.where(msk, 1.0, 0.0)
                return (sx, sy, sz, cnt)

            z = jnp.zeros((_L,), jnp.float32)
            sx, sy, sz, cnt = lax.fori_loop(0, CH, p2_body, (z, z, z, z))
            pxv[pl.ds(g0, _L)] = gx

            csv = jnp.full((_L,), jnp.sum(cnt))
            ex = qx - jnp.full((_L,), jnp.sum(sx)) / csv
            ey = qy - jnp.full((_L,), jnp.sum(sy)) / csv
            ez = qz - jnp.full((_L,), jnp.sum(sz)) / csv
            return acc + ex * ex + ey * ey + ez * ez

        acc = lax.fori_loop(0, RPW, row_body, jnp.zeros((_L,), jnp.float32))
        accv[...] = acc
        pltpu.sync_copy(accv, out_hbm.at[wid])

    return sc_smooth


@jax.jit
def kernel(P, P0, z_3d, z_text):
    B, N, _ = P.shape
    PT = P.transpose(0, 2, 1)
    (tc_out,) = _tc_part(P, PT, P0, z_3d, z_text)
    sc_out = _make_sc_smooth(B, N)(PT.reshape(B * 3, N))

    inv = 1.0 / (B * N)
    L_stick = (tc_out[0, 0] + tc_out[0, 1]) * inv
    L_smooth = (tc_out[0, 2] + jnp.sum(sc_out[:, 0])) * (inv / 3.0)
    L_text = -tc_out[0, 3] / B
    L_total = (_LAMBDA_TEXT * L_text + _LAMBDA_STICK * L_stick
               + _LAMBDA_SMOOTH * L_smooth)
    return jnp.stack([L_total, L_text, L_stick, L_smooth])

# --- scband reference (transcript-rebuilt; emitter-appended) ---
"""Pipeline reference for scband-refinement-loss-3307124818604 (READ-ONLY COPY).

The authoritative reference and input builder live on the scoring server;
editing this copy changes nothing except your own understanding.
"""

import jax, jax.numpy as jnp
import numpy as np

LAMBDA_TEXT = 0.5
LAMBDA_STICK = 2.0
LAMBDA_SMOOTH = 0.1
K_NEIGHBORS = 8


def setup_inputs(seed: int = 0) -> dict:
    key = jax.random.key(seed)
    k1, k2, k3, k4 = jax.random.split(key, 4)
    B, N, D = 4, 2048, 512
    return {
        "P": jax.random.normal(k1, (B, N, 3), dtype=jnp.float32),
        "P0": jax.random.normal(k2, (B, N, 3), dtype=jnp.float32),
        "z_3d": jax.random.normal(k3, (B, D), dtype=jnp.float32),
        "z_text": jax.random.normal(k4, (B, D), dtype=jnp.float32),
    }


def _pairwise_sqdist(A, B):
    # (B, N, M) squared euclidean distances
    return jnp.sum((A[:, :, None, :] - B[:, None, :, :]) ** 2, axis=-1)


def _normalize(x, eps=1e-12):
    n = jnp.linalg.norm(x, axis=-1, keepdims=True)
    return x / jnp.maximum(n, eps)


def _text_similarity_loss(z_3d, z_text):
    z3 = _normalize(z_3d)
    zt = _normalize(z_text)
    sim = jnp.sum(z3 * zt, axis=-1)
    return -jnp.mean(sim)


def _chamfer_l2(P, P0):
    d = _pairwise_sqdist(P, P0)  # (B, N, N)
    loss_fwd = jnp.mean(jnp.min(d, axis=2))
    loss_bwd = jnp.mean(jnp.min(d, axis=1))
    return loss_fwd + loss_bwd


def _smoothness_loss(P, k):
    Bn, N, _ = P.shape
    d = _pairwise_sqdist(P, P)  # (B, N, N)
    d = d + jnp.eye(N, dtype=P.dtype)[None, :, :] * 1000000.0
    neg_vals, knn_idx = jax.lax.top_k(-d, k)  # smallest-k distances
    knn_points = jax.vmap(lambda pts, idx: pts[idx])(P, knn_idx)  # (B, N, k, 3)
    local_mean = jnp.mean(knn_points, axis=2)  # (B, N, 3)
    return jnp.mean((P - local_mean) ** 2)


def reference(P, P0, z_3d, z_text):
    L_text = _text_similarity_loss(z_3d, z_text)
    L_stick = _chamfer_l2(P, P0)
    L_smooth = _smoothness_loss(P, K_NEIGHBORS)
    L_total = LAMBDA_TEXT * L_text + LAMBDA_STICK * L_stick + LAMBDA_SMOOTH * L_smooth
    # [total, text, sticking, smoothness]
    return jnp.stack([L_total, L_text, L_stick, L_smooth])

if __name__ == "__main__":
    import jax
    _d = setup_inputs()
    print(jax.jit(kernel)(*tuple(_d.values())))

</pallas_src>

<mosaic_0001>
#map = affine_map<(d0, d1) -> (0, 0)>
module attributes {stable_mosaic.version = 14 : i64} {
  func.func @sc_smooth(%arg0: i32, %arg1: i32, %arg2: memref<12x2048xf32, #tpu.memory_space<hbm>>, %arg3: memref<32x16xf32, #tpu.memory_space<hbm>>, %arg4: memref<2048xf32, #tpu.memory_space<vmem>>, %arg5: memref<2048xf32, #tpu.memory_space<vmem>>, %arg6: memref<2048xf32, #tpu.memory_space<vmem>>, %arg7: memref<128x16xf32, #tpu.memory_space<vmem>>, %arg8: memref<16xf32, #tpu.memory_space<vmem>>) attributes {dimension_semantics = [#tpu.dimension_semantics<core_parallel>, #tpu.dimension_semantics<subcore_parallel>], iteration_bounds = array<i64: 2, 16>, scalar_prefetch = 0 : i64, scratch_operands = 5 : i64, tpu.core_type = #tpu.core_type<sc_vector_subcore>, window_params = [{transform_indices = #map}, {transform_indices = #map}]} {
    %mul3A = arith.constant 2 : i32
    %mul3A_0 = arith.muli %arg1, %mul3A : i32
    %add3A = arith.addi %mul3A_0, %arg0 : i32
    %jit3A = arith.constant 8 : i32
    %div3A = arith.divsi %add3A, %jit3A : i32
    %sign3A = arith.constant 0 : i32
    %sign3A_1 = arith.cmpi sgt, %add3A, %sign3A : i32
    %sign3A_2 = arith.extui %sign3A_1 : i1 to i32
    %sign3A_3 = arith.constant 0 : i32
    %sign3A_4 = arith.cmpi slt, %add3A, %sign3A_3 : i32
    %sign3A_5 = arith.extui %sign3A_4 : i1 to i32
    %sign3A_6 = arith.subi %sign3A_2, %sign3A_5 : i32
    %sign3A_7 = arith.constant 0 : i32
    %sign3A_8 = arith.cmpi sgt, %jit3A, %sign3A_7 : i32
    %sign3A_9 = arith.extui %sign3A_8 : i1 to i32
    %sign3A_10 = arith.constant 0 : i32
    %sign3A_11 = arith.cmpi slt, %jit3A, %sign3A_10 : i32
    %sign3A_12 = arith.extui %sign3A_11 : i1 to i32
    %sign3A_13 = arith.subi %sign3A_9, %sign3A_12 : i32
    %ne3A = arith.cmpi ne, %sign3A_6, %sign3A_13 : i32
    %rem3A = arith.remsi %add3A, %jit3A : i32
    %ne3A_14 = arith.constant 0 : i32
    %ne3A_15 = arith.cmpi ne, %rem3A, %ne3A_14 : i32
    %and3A = arith.andi %ne3A, %ne3A_15 : i1
    %sub3A = arith.constant 1 : i32
    %sub3A_16 = arith.subi %div3A, %sub3A : i32
    %select_n3A = arith.select %and3A, %sub3A_16, %div3A : i32
    %jit3A_17 = arith.constant 8 : i32
    %eq3A = arith.constant 0 : i32
    %eq3A_18 = arith.cmpi eq, %jit3A_17, %eq3A : i32
    %jit3A_19 = arith.constant 1 : i32
    %select_n3A_20 = arith.select %eq3A_18, %jit3A_19, %jit3A_17 : i32
    %rem3A_21 = arith.remsi %add3A, %select_n3A_20 : i32
    %ne3A_22 = arith.constant 0 : i32
    %ne3A_23 = arith.cmpi ne, %rem3A_21, %ne3A_22 : i32
    %lt3A = arith.constant 0 : i32
    %lt3A_24 = arith.cmpi slt, %rem3A_21, %lt3A : i32
    %lt3A_25 = arith.constant 0 : i32
    %lt3A_26 = arith.cmpi slt, %select_n3A_20, %lt3A_25 : i32
    %ne3A_27 = arith.xori %lt3A_24, %lt3A_26 : i1
    %and3A_28 = arith.andi %ne3A_27, %ne3A_23 : i1
    %add3A_29 = arith.addi %rem3A_21, %select_n3A_20 : i32
    %select_n3A_30 = arith.select %and3A_28, %add3A_29, %rem3A_21 : i32
    %mul3A_31 = arith.constant 3 : i32
    %mul3A_32 = arith.muli %select_n3A, %mul3A_31 : i32
    "tpu.region"() ({
      %run_scoped3A = tpu.sem_alloc : memref<!tpu.dma_semaphore, #tpu.memory_space<semaphore_mem>>
      %dma_start3A = arith.constant 0 : i32
      %dma_start3A_54 = tpu.memref_slice %arg2[%mul3A_32, %dma_start3A] : memref<12x2048xf32, #tpu.memory_space<hbm>> -> memref<1x2048xf32, #tpu.memory_space<hbm>>
      %dma_start3A_55 = tpu.memref_squeeze %dma_start3A_54 : memref<1x2048xf32, #tpu.memory_space<hbm>> -> memref<2048xf32, #tpu.memory_space<hbm>>
      %dma_start3A_56 = arith.constant 0 : i32
      %dma_start3A_57 = tpu.memref_slice %arg2[%mul3A_32, %dma_start3A_56] : memref<12x2048xf32, #tpu.memory_space<hbm>> -> memref<1x2048xf32, #tpu.memory_space<hbm>>
      %dma_start3A_58 = tpu.memref_squeeze %dma_start3A_57 : memref<1x2048xf32, #tpu.memory_space<hbm>> -> memref<2048xf32, #tpu.memory_space<hbm>>
      tpu.enqueue_dma source(%dma_start3A_58 : memref<2048xf32, #tpu.memory_space<hbm>>) target(%arg4 : memref<2048xf32, #tpu.memory_space<vmem>>) target_semaphore(%run_scoped3A : memref<!tpu.dma_semaphore, #tpu.memory_space<semaphore_mem>>)
      %dma_wait3A = arith.constant 0 : i32
      %dma_wait3A_59 = tpu.memref_slice %arg2[%mul3A_32, %dma_wait3A] : memref<12x2048xf32, #tpu.memory_space<hbm>> -> memref<1x2048xf32, #tpu.memory_space<hbm>>
      %dma_wait3A_60 = tpu.memref_squeeze %dma_wait3A_59 : memref<1x2048xf32, #tpu.memory_space<hbm>> -> memref<2048xf32, #tpu.memory_space<hbm>>
      %dma_wait3A_61 = arith.constant 0 : i32
      %dma_wait3A_62 = tpu.memref_slice %arg2[%mul3A_32, %dma_wait3A_61] : memref<12x2048xf32, #tpu.memory_space<hbm>> -> memref<1x2048xf32, #tpu.memory_space<hbm>>
      %dma_wait3A_63 = tpu.memref_squeeze %dma_wait3A_62 : memref<1x2048xf32, #tpu.memory_space<hbm>> -> memref<2048xf32, #tpu.memory_space<hbm>>
      tpu.wait_dma2 semaphore(%run_scoped3A : memref<!tpu.dma_semaphore, #tpu.memory_space<semaphore_mem>>) src(%dma_wait3A_63 : memref<2048xf32, #tpu.memory_space<hbm>>) dst(%arg4 : memref<2048xf32, #tpu.memory_space<vmem>>)
      tpu.yield
    }) : () -> ()
    %mul3A_33 = arith.constant 3 : i32
    %mul3A_34 = arith.muli %select_n3A, %mul3A_33 : i32
    %add3A_35 = arith.constant 1 : i32
    %add3A_36 = arith.addi %mul3A_34, %add3A_35 : i32
    "tpu.region"() ({
      %run_scoped3A = tpu.sem_alloc : memref<!tpu.dma_semaphore, #tpu.memory_space<semaphore_mem>>
      %dma_start3A = arith.constant 0 : i32
      %dma_start3A_54 = tpu.memref_slice %arg2[%add3A_36, %dma_start3A] : memref<12x2048xf32, #tpu.memory_space<hbm>> -> memref<1x2048xf32, #tpu.memory_space<hbm>>
      %dma_start3A_55 = tpu.memref_squeeze %dma_start3A_54 : memref<1x2048xf32, #tpu.memory_space<hbm>> -> memref<2048xf32, #tpu.memory_space<hbm>>
      %dma_start3A_56 = arith.constant 0 : i32
      %dma_start3A_57 = tpu.memref_slice %arg2[%add3A_36, %dma_start3A_56] : memref<12x2048xf32, #tpu.memory_space<hbm>> -> memref<1x2048xf32, #tpu.memory_space<hbm>>
      %dma_start3A_58 = tpu.memref_squeeze %dma_start3A_57 : memref<1x2048xf32, #tpu.memory_space<hbm>> -> memref<2048xf32, #tpu.memory_space<hbm>>
      tpu.enqueue_dma source(%dma_start3A_58 : memref<2048xf32, #tpu.memory_space<hbm>>) target(%arg5 : memref<2048xf32, #tpu.memory_space<vmem>>) target_semaphore(%run_scoped3A : memref<!tpu.dma_semaphore, #tpu.memory_space<semaphore_mem>>)
      %dma_wait3A = arith.constant 0 : i32
      %dma_wait3A_59 = tpu.memref_slice %arg2[%add3A_36, %dma_wait3A] : memref<12x2048xf32, #tpu.memory_space<hbm>> -> memref<1x2048xf32, #tpu.memory_space<hbm>>
      %dma_wait3A_60 = tpu.memref_squeeze %dma_wait3A_59 : memref<1x2048xf32, #tpu.memory_space<hbm>> -> memref<2048xf32, #tpu.memory_space<hbm>>
      %dma_wait3A_61 = arith.constant 0 : i32
      %dma_wait3A_62 = tpu.memref_slice %arg2[%add3A_36, %dma_wait3A_61] : memref<12x2048xf32, #tpu.memory_space<hbm>> -> memref<1x2048xf32, #tpu.memory_space<hbm>>
      %dma_wait3A_63 = tpu.memref_squeeze %dma_wait3A_62 : memref<1x2048xf32, #tpu.memory_space<hbm>> -> memref<2048xf32, #tpu.memory_space<hbm>>
      tpu.wait_dma2 semaphore(%run_scoped3A : memref<!tpu.dma_semaphore, #tpu.memory_space<semaphore_mem>>) src(%dma_wait3A_63 : memref<2048xf32, #tpu.memory_space<hbm>>) dst(%arg5 : memref<2048xf32, #tpu.memory_space<vmem>>)
      tpu.yield
    }) : () -> ()
    %mul3A_37 = arith.constant 3 : i32
    %mul3A_38 = arith.muli %select_n3A, %mul3A_37 : i32
    %add3A_39 = arith.constant 2 : i32
    %add3A_40 = arith.addi %mul3A_38, %add3A_39 : i32
    "tpu.region"() ({
      %run_scoped3A = tpu.sem_alloc : memref<!tpu.dma_semaphore, #tpu.memory_space<semaphore_mem>>
      %dma_start3A = arith.constant 0 : i32
      %dma_start3A_54 = tpu.memref_slice %arg2[%add3A_40, %dma_start3A] : memref<12x2048xf32, #tpu.memory_space<hbm>> -> memref<1x2048xf32, #tpu.memory_space<hbm>>
      %dma_start3A_55 = tpu.memref_squeeze %dma_start3A_54 : memref<1x2048xf32, #tpu.memory_space<hbm>> -> memref<2048xf32, #tpu.memory_space<hbm>>
      %dma_start3A_56 = arith.constant 0 : i32
      %dma_start3A_57 = tpu.memref_slice %arg2[%add3A_40, %dma_start3A_56] : memref<12x2048xf32, #tpu.memory_space<hbm>> -> memref<1x2048xf32, #tpu.memory_space<hbm>>
      %dma_start3A_58 = tpu.memref_squeeze %dma_start3A_57 : memref<1x2048xf32, #tpu.memory_space<hbm>> -> memref<2048xf32, #tpu.memory_space<hbm>>
      tpu.enqueue_dma source(%dma_start3A_58 : memref<2048xf32, #tpu.memory_space<hbm>>) target(%arg6 : memref<2048xf32, #tpu.memory_space<vmem>>) target_semaphore(%run_scoped3A : memref<!tpu.dma_semaphore, #tpu.memory_space<semaphore_mem>>)
      %dma_wait3A = arith.constant 0 : i32
      %dma_wait3A_59 = tpu.memref_slice %arg2[%add3A_40, %dma_wait3A] : memref<12x2048xf32, #tpu.memory_space<hbm>> -> memref<1x2048xf32, #tpu.memory_space<hbm>>
      %dma_wait3A_60 = tpu.memref_squeeze %dma_wait3A_59 : memref<1x2048xf32, #tpu.memory_space<hbm>> -> memref<2048xf32, #tpu.memory_space<hbm>>
      %dma_wait3A_61 = arith.constant 0 : i32
      %dma_wait3A_62 = tpu.memref_slice %arg2[%add3A_40, %dma_wait3A_61] : memref<12x2048xf32, #tpu.memory_space<hbm>> -> memref<1x2048xf32, #tpu.memory_space<hbm>>
      %dma_wait3A_63 = tpu.memref_squeeze %dma_wait3A_62 : memref<1x2048xf32, #tpu.memory_space<hbm>> -> memref<2048xf32, #tpu.memory_space<hbm>>
      tpu.wait_dma2 semaphore(%run_scoped3A : memref<!tpu.dma_semaphore, #tpu.memory_space<semaphore_mem>>) src(%dma_wait3A_63 : memref<2048xf32, #tpu.memory_space<hbm>>) dst(%arg6 : memref<2048xf32, #tpu.memory_space<vmem>>)
      tpu.yield
    }) : () -> ()
    %mul3A_41 = arith.constant 64 : i32
    %mul3A_42 = arith.muli %select_n3A_30, %mul3A_41 : i32
    %add3A_43 = arith.constant 1536 : i32
    %add3A_44 = arith.addi %add3A_43, %mul3A_42 : i32
    %iota3A = tpu.iota {dimensions = array<i32: 0>} : vector<16xi32>
    %broadcast_in_dim3A = arith.constant 0x7F800000 : f32
    %broadcast_in_dim3A_45 = vector.broadcast %broadcast_in_dim3A : f32 to vector<16xf32>
    %broadcast_in_dim3A_46 = arith.constant 0.000000e+00 : f32
    %broadcast_in_dim3A_47 = vector.broadcast %broadcast_in_dim3A_46 : f32 to vector<16xf32>
    %scan3A = arith.constant 0 : i32
    %scan3A_48 = arith.constant 64 : i32
    %scan3A_49 = arith.addi %scan3A, %scan3A_48 : i32
    %scan3A_50 = arith.constant 1 : i32
    %scan3A_51 = scf.for %scan3A_54 = %scan3A to %scan3A_49 step %scan3A_50 iter_args(%scan3A_55 = %broadcast_in_dim3A_47) -> (vector<16xf32>)  : i32 {
      %jit3A_56 = arith.constant 16 : i32
      %div3A_57 = arith.divsi %scan3A_54, %jit3A_56 : i32
      %sign3A_58 = arith.constant 0 : i32
      %sign3A_59 = arith.cmpi sgt, %scan3A_54, %sign3A_58 : i32
      %sign3A_60 = arith.extui %sign3A_59 : i1 to i32
      %sign3A_61 = arith.constant 0 : i32
      %sign3A_62 = arith.cmpi slt, %scan3A_54, %sign3A_61 : i32
      %sign3A_63 = arith.extui %sign3A_62 : i1 to i32
      %sign3A_64 = arith.subi %sign3A_60, %sign3A_63 : i32
      %sign3A_65 = arith.constant 0 : i32
      %sign3A_66 = arith.cmpi sgt, %jit3A_56, %sign3A_65 : i32
      %sign3A_67 = arith.extui %sign3A_66 : i1 to i32
      %sign3A_68 = arith.constant 0 : i32
      %sign3A_69 = arith.cmpi slt, %jit3A_56, %sign3A_68 : i32
      %sign3A_70 = arith.extui %sign3A_69 : i1 to i32
      %sign3A_71 = arith.subi %sign3A_67, %sign3A_70 : i32
      %ne3A_72 = arith.cmpi ne, %sign3A_64, %sign3A_71 : i32
      %rem3A_73 = arith.remsi %scan3A_54, %jit3A_56 : i32
      %ne3A_74 = arith.constant 0 : i32
      %ne3A_75 = arith.cmpi ne, %rem3A_73, %ne3A_74 : i32
      %and3A_76 = arith.andi %ne3A_72, %ne3A_75 : i1
      %sub3A_77 = arith.constant 1 : i32
      %sub3A_78 = arith.subi %div3A_57, %sub3A_77 : i32
      %select_n3A_79 = arith.select %and3A_76, %sub3A_78, %div3A_57 : i32
      %mul3A_80 = arith.constant 16 : i32
      %mul3A_81 = arith.muli %select_n3A_79, %mul3A_80 : i32
      %add3A_82 = arith.addi %add3A_44, %mul3A_81 : i32
      %jit3A_83 = arith.constant 16 : i32
      %eq3A_84 = arith.constant 0 : i32
      %eq3A_85 = arith.cmpi eq, %jit3A_83, %eq3A_84 : i32
      %jit3A_86 = arith.constant 1 : i32
      %select_n3A_87 = arith.select %eq3A_85, %jit3A_86, %jit3A_83 : i32
      %rem3A_88 = arith.remsi %scan3A_54, %select_n3A_87 : i32
      %ne3A_89 = arith.constant 0 : i32
      %ne3A_90 = arith.cmpi ne, %rem3A_88, %ne3A_89 : i32
      %lt3A_91 = arith.constant 0 : i32
      %lt3A_92 = arith.cmpi slt, %rem3A_88, %lt3A_91 : i32
      %lt3A_93 = arith.constant 0 : i32
      %lt3A_94 = arith.cmpi slt, %select_n3A_87, %lt3A_93 : i32
      %ne3A_95 = arith.xori %lt3A_92, %lt3A_94 : i1
      %and3A_96 = arith.andi %ne3A_95, %ne3A_90 : i1
      %add3A_97 = arith.addi %rem3A_88, %select_n3A_87 : i32
      %select_n3A_98 = arith.select %and3A_96, %add3A_97, %rem3A_88 : i32
      %broadcast_in_dim3A_99 = vector.broadcast %select_n3A_98 : i32 to vector<16xi32>
      %eq3A_100 = arith.cmpi eq, %iota3A, %broadcast_in_dim3A_99 : vector<16xi32>
      %get3A = arith.index_cast %add3A_82 : i32 to index
      %get3A_101 = tpu.vector_load %arg4[%get3A] {strides = array<i32>} : memref<2048xf32, #tpu.memory_space<vmem>>, vector<16xf32>,
      %get3A_102 = arith.index_cast %add3A_82 : i32 to index
      %get3A_103 = tpu.vector_load %arg5[%get3A_102] {strides = array<i32>} : memref<2048xf32, #tpu.memory_space<vmem>>, vector<16xf32>,
      %get3A_104 = arith.index_cast %add3A_82 : i32 to index
      %get3A_105 = tpu.vector_load %arg6[%get3A_104] {strides = array<i32>} : memref<2048xf32, #tpu.memory_space<vmem>>, vector<16xf32>,
      %jit3A_106 = arith.constant 0.000000e+00 : f32
      %broadcast_in_dim3A_107 = vector.broadcast %jit3A_106 : f32 to vector<16xf32>
      %select_n3A_108 = arith.select %eq3A_100, %get3A_101, %broadcast_in_dim3A_107 : vector<16xi1>, vector<16xf32>
      %reduce_sum3A = arith.constant true
      %reduce_sum3A_109 = vector.broadcast %reduce_sum3A : i1 to vector<16xi1>
      %reduce_sum3A_110 = tpu.scan <sum>, %select_n3A_108 masked %reduce_sum3A_109 : vector<16xf32>, vector<16xi1> -> vector<16xf32>
      %reduce_sum3A_111 = vector.extract %reduce_sum3A_110[15] : f32 from vector<16xf32>
      %broadcast_in_dim3A_112 = vector.broadcast %reduce_sum3A_111 : f32 to vector<16xf32>
      %jit3A_113 = arith.constant 0.000000e+00 : f32
      %broadcast_in_dim3A_114 = vector.broadcast %jit3A_113 : f32 to vector<16xf32>
      %select_n3A_115 = arith.select %eq3A_100, %get3A_103, %broadcast_in_dim3A_114 : vector<16xi1>, vector<16xf32>
      %reduce_sum3A_116 = arith.constant true
      %reduce_sum3A_117 = vector.broadcast %reduce_sum3A_116 : i1 to vector<16xi1>
      %reduce_sum3A_118 = tpu.scan <sum>, %select_n3A_115 masked %reduce_sum3A_117 : vector<16xf32>, vector<16xi1> -> vector<16xf32>
      %reduce_sum3A_119 = vector.extract %reduce_sum3A_118[15] : f32 from vector<16xf32>
      %broadcast_in_dim3A_120 = vector.broadcast %reduce_sum3A_119 : f32 to vector<16xf32>
      %jit3A_121 = arith.constant 0.000000e+00 : f32
      %broadcast_in_dim3A_122 = vector.broadcast %jit3A_121 : f32 to vector<16xf32>
      %select_n3A_123 = arith.select %eq3A_100, %get3A_105, %broadcast_in_dim3A_122 : vector<16xi1>, vector<16xf32>
      %reduce_sum3A_124 = arith.constant true
      %reduce_sum3A_125 = vector.broadcast %reduce_sum3A_124 : i1 to vector<16xi1>
      %reduce_sum3A_126 = tpu.scan <sum>, %select_n3A_123 masked %reduce_sum3A_125 : vector<16xf32>, vector<16xi1> -> vector<16xf32>
      %reduce_sum3A_127 = vector.extract %reduce_sum3A_126[15] : f32 from vector<16xf32>
      %broadcast_in_dim3A_128 = vector.broadcast %reduce_sum3A_127 : f32 to vector<16xf32>
      %select_n3A_129 = arith.select %eq3A_100, %broadcast_in_dim3A_45, %get3A_101 : vector<16xi1>, vector<16xf32>
      %swap3A_130 = arith.index_cast %add3A_82 : i32 to index
      %swap3A_131 = tpu.vector_load %arg4[%swap3A_130] {strides = array<i32>} : memref<2048xf32, #tpu.memory_space<vmem>>, vector<16xf32>,
      tpu.vector_store %arg4[%swap3A_130], %select_n3A_129 {strides = array<i32>} : memref<2048xf32, #tpu.memory_space<vmem>>, vector<16xf32>,
      %scan3A_132 = arith.constant 0 : i32
      %scan3A_133 = arith.constant 128 : i32
      %scan3A_134 = arith.addi %scan3A_132, %scan3A_133 : i32
      %scan3A_135 = arith.constant 1 : i32
      %scan3A_136:8 = scf.for %scan3A_497 = %scan3A_132 to %scan3A_134 step %scan3A_135 iter_args(%scan3A_498 = %broadcast_in_dim3A_45, %scan3A_499 = %broadcast_in_dim3A_45, %scan3A_500 = %broadcast_in_dim3A_45, %scan3A_501 = %broadcast_in_dim3A_45, %scan3A_502 = %broadcast_in_dim3A_45, %scan3A_503 = %broadcast_in_dim3A_45, %scan3A_504 = %broadcast_in_dim3A_45, %scan3A_505 = %broadcast_in_dim3A_45) -> (vector<16xf32>, vector<16xf32>, vector<16xf32>, vector<16xf32>, vector<16xf32>, vector<16xf32>, vector<16xf32>, vector<16xf32>)  : i32 {
        %mul3A_506 = arith.constant 16 : i32
        %mul3A_507 = arith.muli %scan3A_497, %mul3A_506 : i32
        %get3A_508 = arith.index_cast %mul3A_507 : i32 to index
        %get3A_509 = tpu.vector_load %arg4[%get3A_508] {strides = array<i32>} : memref<2048xf32, #tpu.memory_space<vmem>>, vector<16xf32>,
        %mul3A_510 = arith.constant 16 : i32
        %mul3A_511 = arith.muli %scan3A_497, %mul3A_510 : i32
        %get3A_512 = arith.index_cast %mul3A_511 : i32 to index
        %get3A_513 = tpu.vector_load %arg5[%get3A_512] {strides = array<i32>} : memref<2048xf32, #tpu.memory_space<vmem>>, vector<16xf32>,
        %mul3A_514 = arith.constant 16 : i32
        %mul3A_515 = arith.muli %scan3A_497, %mul3A_514 : i32
        %get3A_516 = arith.index_cast %mul3A_515 : i32 to index
        %get3A_517 = tpu.vector_load %arg6[%get3A_516] {strides = array<i32>} : memref<2048xf32, #tpu.memory_space<vmem>>, vector<16xf32>,
        %sub3A_518 = arith.subf %broadcast_in_dim3A_112, %get3A_509 : vector<16xf32>
        %sub3A_519 = arith.subf %broadcast_in_dim3A_120, %get3A_513 : vector<16xf32>
        %sub3A_520 = arith.subf %broadcast_in_dim3A_128, %get3A_517 : vector<16xf32>
        %mul3A_521 = arith.mulf %sub3A_518, %sub3A_518 : vector<16xf32>
        %mul3A_522 = arith.mulf %sub3A_519, %sub3A_519 : vector<16xf32>
        %add3A_523 = arith.addf %mul3A_521, %mul3A_522 : vector<16xf32>
        %mul3A_524 = arith.mulf %sub3A_520, %sub3A_520 : vector<16xf32>
        %add3A_525 = arith.addf %add3A_523, %mul3A_524 : vector<16xf32>
        %swap3A_526 = arith.index_cast %scan3A_497 : i32 to index
        %swap3A_527 = arith.constant 0 : index
        %swap3A_528 = tpu.vector_load %arg7[%swap3A_526, %swap3A_527] {strides = array<i32>} : memref<128x16xf32, #tpu.memory_space<vmem>>, vector<16xf32>,
        tpu.vector_store %arg7[%swap3A_526, %swap3A_527], %add3A_525 {strides = array<i32>} : memref<128x16xf32, #tpu.memory_space<vmem>>, vector<16xf32>,
        %min3A_529 = arith.minimumf %scan3A_498, %add3A_525 : vector<16xf32>
        %max3A = arith.maximumf %scan3A_498, %add3A_525 : vector<16xf32>
        %min3A_530 = arith.minimumf %scan3A_499, %max3A : vector<16xf32>
        %max3A_531 = arith.maximumf %scan3A_499, %max3A : vector<16xf32>
        %min3A_532 = arith.minimumf %scan3A_500, %max3A_531 : vector<16xf32>
        %max3A_533 = arith.maximumf %scan3A_500, %max3A_531 : vector<16xf32>
        %min3A_534 = arith.minimumf %scan3A_501, %max3A_533 : vector<16xf32>
        %max3A_535 = arith.maximumf %scan3A_501, %max3A_533 : vector<16xf32>
        %min3A_536 = arith.minimumf %scan3A_502, %max3A_535 : vector<16xf32>
        %max3A_537 = arith.maximumf %scan3A_502, %max3A_535 : vector<16xf32>
        %min3A_538 = arith.minimumf %scan3A_503, %max3A_537 : vector<16xf32>
        %max3A_539 = arith.maximumf %scan3A_503, %max3A_537 : vector<16xf32>
        %min3A_540 = arith.minimumf %scan3A_504, %max3A_539 : vector<16xf32>
        %max3A_541 = arith.maximumf %scan3A_504, %max3A_539 : vector<16xf32>
        %min3A_542 = arith.minimumf %scan3A_505, %max3A_541 : vector<16xf32>
        %max3A_543 = arith.maximumf %scan3A_505, %max3A_541 : vector<16xf32>
        scf.yield %min3A_529, %min3A_530, %min3A_532, %min3A_534, %min3A_536, %min3A_538, %min3A_540, %min3A_542 : vector<16xf32>, vector<16xf32>, vector<16xf32>, vector<16xf32>, vector<16xf32>, vector<16xf32>, vector<16xf32>, vector<16xf32>
      }
      %scan3A_137 = arith.constant 128 : i32
      %min3A = arith.minimumf %scan3A_136#0, %scan3A_136#1 : vector<16xf32>
      %min3A_138 = arith.minimumf %min3A, %scan3A_136#2 : vector<16xf32>
      %min3A_139 = arith.minimumf %min3A_138, %scan3A_136#3 : vector<16xf32>
      %min3A_140 = arith.minimumf %min3A_139, %scan3A_136#4 : vector<16xf32>
      %min3A_141 = arith.minimumf %min3A_140, %scan3A_136#5 : vector<16xf32>
      %min3A_142 = arith.minimumf %min3A_141, %scan3A_136#6 : vector<16xf32>
      %min3A_143 = arith.minimumf %min3A_142, %scan3A_136#7 : vector<16xf32>
      %reduce_min3A = arith.constant true
      %reduce_min3A_144 = vector.broadcast %reduce_min3A : i1 to vector<16xi1>
      %reduce_min3A_145 = tpu.scan <min>, %min3A_143 masked %reduce_min3A_144 : vector<16xf32>, vector<16xi1> -> vector<16xf32>
      %reduce_min3A_146 = vector.extract %reduce_min3A_145[15] : f32 from vector<16xf32>
      %broadcast_in_dim3A_147 = vector.broadcast %reduce_min3A_146 : f32 to vector<16xf32>
      %le3A = arith.cmpf ole, %scan3A_136#0, %broadcast_in_dim3A_147 : vector<16xf32>
      %jit3A_148 = arith.constant 0x7F800000 : f32
      %broadcast_in_dim3A_149 = vector.broadcast %jit3A_148 : f32 to vector<16xf32>
      %select_n3A_150 = arith.select %le3A, %broadcast_in_dim3A_149, %scan3A_136#0 : vector<16xi1>, vector<16xf32>
      %le3A_151 = arith.cmpf ole, %scan3A_136#1, %broadcast_in_dim3A_147 : vector<16xf32>
      %jit3A_152 = arith.constant 0x7F800000 : f32
      %broadcast_in_dim3A_153 = vector.broadcast %jit3A_152 : f32 to vector<16xf32>
      %select_n3A_154 = arith.select %le3A_151, %broadcast_in_dim3A_153, %scan3A_136#1 : vector<16xi1>, vector<16xf32>
      %le3A_155 = arith.cmpf ole, %scan3A_136#2, %broadcast_in_dim3A_147 : vector<16xf32>
      %jit3A_156 = arith.constant 0x7F800000 : f32
      %broadcast_in_dim3A_157 = vector.broadcast %jit3A_156 : f32 to vector<16xf32>
      %select_n3A_158 = arith.select %le3A_155, %broadcast_in_dim3A_157, %scan3A_136#2 : vector<16xi1>, vector<16xf32>
      %le3A_159 = arith.cmpf ole, %scan3A_136#3, %broadcast_in_dim3A_147 : vector<16xf32>
      %jit3A_160 = arith.constant 0x7F800000 : f32
      %broadcast_in_dim3A_161 = vector.broadcast %jit3A_160 : f32 to vector<16xf32>
      %select_n3A_162 = arith.select %le3A_159, %broadcast_in_dim3A_161, %scan3A_136#3 : vector<16xi1>, vector<16xf32>
      %le3A_163 = arith.cmpf ole, %scan3A_136#4, %broadcast_in_dim3A_147 : vector<16xf32>
      %jit3A_164 = arith.constant 0x7F800000 : f32
      %broadcast_in_dim3A_165 = vector.broadcast %jit3A_164 : f32 to vector<16xf32>
      %select_n3A_166 = arith.select %le3A_163, %broadcast_in_dim3A_165, %scan3A_136#4 : vector<16xi1>, vector<16xf32>
      %le3A_167 = arith.cmpf ole, %scan3A_136#5, %broadcast_in_dim3A_147 : vector<16xf32>
      %jit3A_168 = arith.constant 0x7F800000 : f32
      %broadcast_in_dim3A_169 = vector.broadcast %jit3A_168 : f32 to vector<16xf32>
      %select_n3A_170 = arith.select %le3A_167, %broadcast_in_dim3A_169, %scan3A_136#5 : vector<16xi1>, vector<16xf32>
      %le3A_171 = arith.cmpf ole, %scan3A_136#6, %broadcast_in_dim3A_147 : vector<16xf32>
      %jit3A_172 = arith.constant 0x7F800000 : f32
      %broadcast_in_dim3A_173 = vector.broadcast %jit3A_172 : f32 to vector<16xf32>
      %select_n3A_174 = arith.select %le3A_171, %broadcast_in_dim3A_173, %scan3A_136#6 : vector<16xi1>, vector<16xf32>
      %le3A_175 = arith.cmpf ole, %scan3A_136#7, %broadcast_in_dim3A_147 : vector<16xf32>
      %jit3A_176 = arith.constant 0x7F800000 : f32
      %broadcast_in_dim3A_177 = vector.broadcast %jit3A_176 : f32 to vector<16xf32>
      %select_n3A_178 = arith.select %le3A_175, %broadcast_in_dim3A_177, %scan3A_136#7 : vector<16xi1>, vector<16xf32>
      %min3A_179 = arith.minimumf %select_n3A_150, %select_n3A_154 : vector<16xf32>
      %min3A_180 = arith.minimumf %min3A_179, %select_n3A_158 : vector<16xf32>
      %min3A_181 = arith.minimumf %min3A_180, %select_n3A_162 : vector<16xf32>
      %min3A_182 = arith.minimumf %min3A_181, %select_n3A_166 : vector<16xf32>
      %min3A_183 = arith.minimumf %min3A_182, %select_n3A_170 : vector<16xf32>
      %min3A_184 = arith.minimumf %min3A_183, %select_n3A_174 : vector<16xf32>
      %min3A_185 = arith.minimumf %min3A_184, %select_n3A_178 : vector<16xf32>
      %reduce_min3A_186 = arith.constant true
      %reduce_min3A_187 = vector.broadcast %reduce_min3A_186 : i1 to vector<16xi1>
      %reduce_min3A_188 = tpu.scan <min>, %min3A_185 masked %reduce_min3A_187 : vector<16xf32>, vector<16xi1> -> vector<16xf32>
      %reduce_min3A_189 = vector.extract %reduce_min3A_188[15] : f32 from vector<16xf32>
      %broadcast_in_dim3A_190 = vector.broadcast %reduce_min3A_189 : f32 to vector<16xf32>
      %le3A_191 = arith.cmpf ole, %select_n3A_150, %broadcast_in_dim3A_190 : vector<16xf32>
      %jit3A_192 = arith.constant 0x7F800000 : f32
      %broadcast_in_dim3A_193 = vector.broadcast %jit3A_192 : f32 to vector<16xf32>
      %select_n3A_194 = arith.select %le3A_191, %broadcast_in_dim3A_193, %select_n3A_150 : vector<16xi1>, vector<16xf32>
      %le3A_195 = arith.cmpf ole, %select_n3A_154, %broadcast_in_dim3A_190 : vector<16xf32>
      %jit3A_196 = arith.constant 0x7F800000 : f32
      %broadcast_in_dim3A_197 = vector.broadcast %jit3A_196 : f32 to vector<16xf32>
      %select_n3A_198 = arith.select %le3A_195, %broadcast_in_dim3A_197, %select_n3A_154 : vector<16xi1>, vector<16xf32>
      %le3A_199 = arith.cmpf ole, %select_n3A_158, %broadcast_in_dim3A_190 : vector<16xf32>
      %jit3A_200 = arith.constant 0x7F800000 : f32
      %broadcast_in_dim3A_201 = vector.broadcast %jit3A_200 : f32 to vector<16xf32>
      %select_n3A_202 = arith.select %le3A_199, %broadcast_in_dim3A_201, %select_n3A_158 : vector<16xi1>, vector<16xf32>
      %le3A_203 = arith.cmpf ole, %select_n3A_162, %broadcast_in_dim3A_190 : vector<16xf32>
      %jit3A_204 = arith.constant 0x7F800000 : f32
      %broadcast_in_dim3A_205 = vector.broadcast %jit3A_204 : f32 to vector<16xf32>
      %select_n3A_206 = arith.select %le3A_203, %broadcast_in_dim3A_205, %select_n3A_162 : vector<16xi1>, vector<16xf32>
      %le3A_207 = arith.cmpf ole, %select_n3A_166, %broadcast_in_dim3A_190 : vector<16xf32>
      %jit3A_208 = arith.constant 0x7F800000 : f32
      %broadcast_in_dim3A_209 = vector.broadcast %jit3A_208 : f32 to vector<16xf32>
      %select_n3A_210 = arith.select %le3A_207, %broadcast_in_dim3A_209, %select_n3A_166 : vector<16xi1>, vector<16xf32>
      %le3A_211 = arith.cmpf ole, %select_n3A_170, %broadcast_in_dim3A_190 : vector<16xf32>
      %jit3A_212 = arith.constant 0x7F800000 : f32
      %broadcast_in_dim3A_213 = vector.broadcast %jit3A_212 : f32 to vector<16xf32>
      %select_n3A_214 = arith.select %le3A_211, %broadcast_in_dim3A_213, %select_n3A_170 : vector<16xi1>, vector<16xf32>
      %le3A_215 = arith.cmpf ole, %select_n3A_174, %broadcast_in_dim3A_190 : vector<16xf32>
      %jit3A_216 = arith.constant 0x7F800000 : f32
      %broadcast_in_dim3A_217 = vector.broadcast %jit3A_216 : f32 to vector<16xf32>
      %select_n3A_218 = arith.select %le3A_215, %broadcast_in_dim3A_217, %select_n3A_174 : vector<16xi1>, vector<16xf32>
      %le3A_219 = arith.cmpf ole, %select_n3A_178, %broadcast_in_dim3A_190 : vector<16xf32>
      %jit3A_220 = arith.constant 0x7F800000 : f32
      %broadcast_in_dim3A_221 = vector.broadcast %jit3A_220 : f32 to vector<16xf32>
      %select_n3A_222 = arith.select %le3A_219, %broadcast_in_dim3A_221, %select_n3A_178 : vector<16xi1>, vector<16xf32>
      %min3A_223 = arith.minimumf %select_n3A_194, %select_n3A_198 : vector<16xf32>
      %min3A_224 = arith.minimumf %min3A_223, %select_n3A_202 : vector<16xf32>
      %min3A_225 = arith.minimumf %min3A_224, %select_n3A_206 : vector<16xf32>
      %min3A_226 = arith.minimumf %min3A_225, %select_n3A_210 : vector<16xf32>
      %min3A_227 = arith.minimumf %min3A_226, %select_n3A_214 : vector<16xf32>
      %min3A_228 = arith.minimumf %min3A_227, %select_n3A_218 : vector<16xf32>
      %min3A_229 = arith.minimumf %min3A_228, %select_n3A_222 : vector<16xf32>
      %reduce_min3A_230 = arith.constant true
      %reduce_min3A_231 = vector.broadcast %reduce_min3A_230 : i1 to vector<16xi1>
      %reduce_min3A_232 = tpu.scan <min>, %min3A_229 masked %reduce_min3A_231 : vector<16xf32>, vector<16xi1> -> vector<16xf32>
      %reduce_min3A_233 = vector.extract %reduce_min3A_232[15] : f32 from vector<16xf32>
      %broadcast_in_dim3A_234 = vector.broadcast %reduce_min3A_233 : f32 to vector<16xf32>
      %le3A_235 = arith.cmpf ole, %select_n3A_194, %broadcast_in_dim3A_234 : vector<16xf32>
      %jit3A_236 = arith.constant 0x7F800000 : f32
      %broadcast_in_dim3A_237 = vector.broadcast %jit3A_236 : f32 to vector<16xf32>
      %select_n3A_238 = arith.select %le3A_235, %broadcast_in_dim3A_237, %select_n3A_194 : vector<16xi1>, vector<16xf32>
      %le3A_239 = arith.cmpf ole, %select_n3A_198, %broadcast_in_dim3A_234 : vector<16xf32>
      %jit3A_240 = arith.constant 0x7F800000 : f32
      %broadcast_in_dim3A_241 = vector.broadcast %jit3A_240 : f32 to vector<16xf32>
      %select_n3A_242 = arith.select %le3A_239, %broadcast_in_dim3A_241, %select_n3A_198 : vector<16xi1>, vector<16xf32>
      %le3A_243 = arith.cmpf ole, %select_n3A_202, %broadcast_in_dim3A_234 : vector<16xf32>
      %jit3A_244 = arith.constant 0x7F800000 : f32
      %broadcast_in_dim3A_245 = vector.broadcast %jit3A_244 : f32 to vector<16xf32>
      %select_n3A_246 = arith.select %le3A_243, %broadcast_in_dim3A_245, %select_n3A_202 : vector<16xi1>, vector<16xf32>
      %le3A_247 = arith.cmpf ole, %select_n3A_206, %broadcast_in_dim3A_234 : vector<16xf32>
      %jit3A_248 = arith.constant 0x7F800000 : f32
      %broadcast_in_dim3A_249 = vector.broadcast %jit3A_248 : f32 to vector<16xf32>
      %select_n3A_250 = arith.select %le3A_247, %broadcast_in_dim3A_249, %select_n3A_206 : vector<16xi1>, vector<16xf32>
      %le3A_251 = arith.cmpf ole, %select_n3A_210, %broadcast_in_dim3A_234 : vector<16xf32>
      %jit3A_252 = arith.constant 0x7F800000 : f32
      %broadcast_in_dim3A_253 = vector.broadcast %jit3A_252 : f32 to vector<16xf32>
      %select_n3A_254 = arith.select %le3A_251, %broadcast_in_dim3A_253, %select_n3A_210 : vector<16xi1>, vector<16xf32>
      %le3A_255 = arith.cmpf ole, %select_n3A_214, %broadcast_in_dim3A_234 : vector<16xf32>
      %jit3A_256 = arith.constant 0x7F800000 : f32
      %broadcast_in_dim3A_257 = vector.broadcast %jit3A_256 : f32 to vector<16xf32>
      %select_n3A_258 = arith.select %le3A_255, %broadcast_in_dim3A_257, %select_n3A_214 : vector<16xi1>, vector<16xf32>
      %le3A_259 = arith.cmpf ole, %select_n3A_218, %broadcast_in_dim3A_234 : vector<16xf32>
      %jit3A_260 = arith.constant 0x7F800000 : f32
      %broadcast_in_dim3A_261 = vector.broadcast %jit3A_260 : f32 to vector<16xf32>
      %select_n3A_262 = arith.select %le3A_259, %broadcast_in_dim3A_261, %select_n3A_218 : vector<16xi1>, vector<16xf32>
      %le3A_263 = arith.cmpf ole, %select_n3A_222, %broadcast_in_dim3A_234 : vector<16xf32>
      %jit3A_264 = arith.constant 0x7F800000 : f32
      %broadcast_in_dim3A_265 = vector.broadcast %jit3A_264 : f32 to vector<16xf32>
      %select_n3A_266 = arith.select %le3A_263, %broadcast_in_dim3A_265, %select_n3A_222 : vector<16xi1>, vector<16xf32>
      %min3A_267 = arith.minimumf %select_n3A_238, %select_n3A_242 : vector<16xf32>
      %min3A_268 = arith.minimumf %min3A_267, %select_n3A_246 : vector<16xf32>
      %min3A_269 = arith.minimumf %min3A_268, %select_n3A_250 : vector<16xf32>
      %min3A_270 = arith.minimumf %min3A_269, %select_n3A_254 : vector<16xf32>
      %min3A_271 = arith.minimumf %min3A_270, %select_n3A_258 : vector<16xf32>
      %min3A_272 = arith.minimumf %min3A_271, %select_n3A_262 : vector<16xf32>
      %min3A_273 = arith.minimumf %min3A_272, %select_n3A_266 : vector<16xf32>
      %reduce_min3A_274 = arith.constant true
      %reduce_min3A_275 = vector.broadcast %reduce_min3A_274 : i1 to vector<16xi1>
      %reduce_min3A_276 = tpu.scan <min>, %min3A_273 masked %reduce_min3A_275 : vector<16xf32>, vector<16xi1> -> vector<16xf32>
      %reduce_min3A_277 = vector.extract %reduce_min3A_276[15] : f32 from vector<16xf32>
      %broadcast_in_dim3A_278 = vector.broadcast %reduce_min3A_277 : f32 to vector<16xf32>
      %le3A_279 = arith.cmpf ole, %select_n3A_238, %broadcast_in_dim3A_278 : vector<16xf32>
      %jit3A_280 = arith.constant 0x7F800000 : f32
      %broadcast_in_dim3A_281 = vector.broadcast %jit3A_280 : f32 to vector<16xf32>
      %select_n3A_282 = arith.select %le3A_279, %broadcast_in_dim3A_281, %select_n3A_238 : vector<16xi1>, vector<16xf32>
      %le3A_283 = arith.cmpf ole, %select_n3A_242, %broadcast_in_dim3A_278 : vector<16xf32>
      %jit3A_284 = arith.constant 0x7F800000 : f32
      %broadcast_in_dim3A_285 = vector.broadcast %jit3A_284 : f32 to vector<16xf32>
      %select_n3A_286 = arith.select %le3A_283, %broadcast_in_dim3A_285, %select_n3A_242 : vector<16xi1>, vector<16xf32>
      %le3A_287 = arith.cmpf ole, %select_n3A_246, %broadcast_in_dim3A_278 : vector<16xf32>
      %jit3A_288 = arith.constant 0x7F800000 : f32
      %broadcast_in_dim3A_289 = vector.broadcast %jit3A_288 : f32 to vector<16xf32>
      %select_n3A_290 = arith.select %le3A_287, %broadcast_in_dim3A_289, %select_n3A_246 : vector<16xi1>, vector<16xf32>
      %le3A_291 = arith.cmpf ole, %select_n3A_250, %broadcast_in_dim3A_278 : vector<16xf32>
      %jit3A_292 = arith.constant 0x7F800000 : f32
      %broadcast_in_dim3A_293 = vector.broadcast %jit3A_292 : f32 to vector<16xf32>
      %select_n3A_294 = arith.select %le3A_291, %broadcast_in_dim3A_293, %select_n3A_250 : vector<16xi1>, vector<16xf32>
      %le3A_295 = arith.cmpf ole, %select_n3A_254, %broadcast_in_dim3A_278 : vector<16xf32>
      %jit3A_296 = arith.constant 0x7F800000 : f32
      %broadcast_in_dim3A_297 = vector.broadcast %jit3A_296 : f32 to vector<16xf32>
      %select_n3A_298 = arith.select %le3A_295, %broadcast_in_dim3A_297, %select_n3A_254 : vector<16xi1>, vector<16xf32>
      %le3A_299 = arith.cmpf ole, %select_n3A_258, %broadcast_in_dim3A_278 : vector<16xf32>
      %jit3A_300 = arith.constant 0x7F800000 : f32
      %broadcast_in_dim3A_301 = vector.broadcast %jit3A_300 : f32 to vector<16xf32>
      %select_n3A_302 = arith.select %le3A_299, %broadcast_in_dim3A_301, %select_n3A_258 : vector<16xi1>, vector<16xf32>
      %le3A_303 = arith.cmpf ole, %select_n3A_262, %broadcast_in_dim3A_278 : vector<16xf32>
      %jit3A_304 = arith.constant 0x7F800000 : f32
      %broadcast_in_dim3A_305 = vector.broadcast %jit3A_304 : f32 to vector<16xf32>
      %select_n3A_306 = arith.select %le3A_303, %broadcast_in_dim3A_305, %select_n3A_262 : vector<16xi1>, vector<16xf32>
      %le3A_307 = arith.cmpf ole, %select_n3A_266, %broadcast_in_dim3A_278 : vector<16xf32>
      %jit3A_308 = arith.constant 0x7F800000 : f32
      %broadcast_in_dim3A_309 = vector.broadcast %jit3A_308 : f32 to vector<16xf32>
      %select_n3A_310 = arith.select %le3A_307, %broadcast_in_dim3A_309, %select_n3A_266 : vector<16xi1>, vector<16xf32>
      %min3A_311 = arith.minimumf %select_n3A_282, %select_n3A_286 : vector<16xf32>
      %min3A_312 = arith.minimumf %min3A_311, %select_n3A_290 : vector<16xf32>
      %min3A_313 = arith.minimumf %min3A_312, %select_n3A_294 : vector<16xf32>
      %min3A_314 = arith.minimumf %min3A_313, %select_n3A_298 : vector<16xf32>
      %min3A_315 = arith.minimumf %min3A_314, %select_n3A_302 : vector<16xf32>
      %min3A_316 = arith.minimumf %min3A_315, %select_n3A_306 : vector<16xf32>
      %min3A_317 = arith.minimumf %min3A_316, %select_n3A_310 : vector<16xf32>
      %reduce_min3A_318 = arith.constant true
      %reduce_min3A_319 = vector.broadcast %reduce_min3A_318 : i1 to vector<16xi1>
      %reduce_min3A_320 = tpu.scan <min>, %min3A_317 masked %reduce_min3A_319 : vector<16xf32>, vector<16xi1> -> vector<16xf32>
      %reduce_min3A_321 = vector.extract %reduce_min3A_320[15] : f32 from vector<16xf32>
      %broadcast_in_dim3A_322 = vector.broadcast %reduce_min3A_321 : f32 to vector<16xf32>
      %le3A_323 = arith.cmpf ole, %select_n3A_282, %broadcast_in_dim3A_322 : vector<16xf32>
      %jit3A_324 = arith.constant 0x7F800000 : f32
      %broadcast_in_dim3A_325 = vector.broadcast %jit3A_324 : f32 to vector<16xf32>
      %select_n3A_326 = arith.select %le3A_323, %broadcast_in_dim3A_325, %select_n3A_282 : vector<16xi1>, vector<16xf32>
      %le3A_327 = arith.cmpf ole, %select_n3A_286, %broadcast_in_dim3A_322 : vector<16xf32>
      %jit3A_328 = arith.constant 0x7F800000 : f32
      %broadcast_in_dim3A_329 = vector.broadcast %jit3A_328 : f32 to vector<16xf32>
      %select_n3A_330 = arith.select %le3A_327, %broadcast_in_dim3A_329, %select_n3A_286 : vector<16xi1>, vector<16xf32>
      %le3A_331 = arith.cmpf ole, %select_n3A_290, %broadcast_in_dim3A_322 : vector<16xf32>
      %jit3A_332 = arith.constant 0x7F800000 : f32
      %broadcast_in_dim3A_333 = vector.broadcast %jit3A_332 : f32 to vector<16xf32>
      %select_n3A_334 = arith.select %le3A_331, %broadcast_in_dim3A_333, %select_n3A_290 : vector<16xi1>, vector<16xf32>
      %le3A_335 = arith.cmpf ole, %select_n3A_294, %broadcast_in_dim3A_322 : vector<16xf32>
      %jit3A_336 = arith.constant 0x7F800000 : f32
      %broadcast_in_dim3A_337 = vector.broadcast %jit3A_336 : f32 to vector<16xf32>
      %select_n3A_338 = arith.select %le3A_335, %broadcast_in_dim3A_337, %select_n3A_294 : vector<16xi1>, vector<16xf32>
      %le3A_339 = arith.cmpf ole, %select_n3A_298, %broadcast_in_dim3A_322 : vector<16xf32>
      %jit3A_340 = arith.constant 0x7F800000 : f32
      %broadcast_in_dim3A_341 = vector.broadcast %jit3A_340 : f32 to vector<16xf32>
      %select_n3A_342 = arith.select %le3A_339, %broadcast_in_dim3A_341, %select_n3A_298 : vector<16xi1>, vector<16xf32>
      %le3A_343 = arith.cmpf ole, %select_n3A_302, %broadcast_in_dim3A_322 : vector<16xf32>
      %jit3A_344 = arith.constant 0x7F800000 : f32
      %broadcast_in_dim3A_345 = vector.broadcast %jit3A_344 : f32 to vector<16xf32>
      %select_n3A_346 = arith.select %le3A_343, %broadcast_in_dim3A_345, %select_n3A_302 : vector<16xi1>, vector<16xf32>
      %le3A_347 = arith.cmpf ole, %select_n3A_306, %broadcast_in_dim3A_322 : vector<16xf32>
      %jit3A_348 = arith.constant 0x7F800000 : f32
      %broadcast_in_dim3A_349 = vector.broadcast %jit3A_348 : f32 to vector<16xf32>
      %select_n3A_350 = arith.select %le3A_347, %broadcast_in_dim3A_349, %select_n3A_306 : vector<16xi1>, vector<16xf32>
      %le3A_351 = arith.cmpf ole, %select_n3A_310, %broadcast_in_dim3A_322 : vector<16xf32>
      %jit3A_352 = arith.constant 0x7F800000 : f32
      %broadcast_in_dim3A_353 = vector.broadcast %jit3A_352 : f32 to vector<16xf32>
      %select_n3A_354 = arith.select %le3A_351, %broadcast_in_dim3A_353, %select_n3A_310 : vector<16xi1>, vector<16xf32>
      %min3A_355 = arith.minimumf %select_n3A_326, %select_n3A_330 : vector<16xf32>
      %min3A_356 = arith.minimumf %min3A_355, %select_n3A_334 : vector<16xf32>
      %min3A_357 = arith.minimumf %min3A_356, %select_n3A_338 : vector<16xf32>
      %min3A_358 = arith.minimumf %min3A_357, %select_n3A_342 : vector<16xf32>
      %min3A_359 = arith.minimumf %min3A_358, %select_n3A_346 : vector<16xf32>
      %min3A_360 = arith.minimumf %min3A_359, %select_n3A_350 : vector<16xf32>
      %min3A_361 = arith.minimumf %min3A_360, %select_n3A_354 : vector<16xf32>
      %reduce_min3A_362 = arith.constant true
      %reduce_min3A_363 = vector.broadcast %reduce_min3A_362 : i1 to vector<16xi1>
      %reduce_min3A_364 = tpu.scan <min>, %min3A_361 masked %reduce_min3A_363 : vector<16xf32>, vector<16xi1> -> vector<16xf32>
      %reduce_min3A_365 = vector.extract %reduce_min3A_364[15] : f32 from vector<16xf32>
      %broadcast_in_dim3A_366 = vector.broadcast %reduce_min3A_365 : f32 to vector<16xf32>
      %le3A_367 = arith.cmpf ole, %select_n3A_326, %broadcast_in_dim3A_366 : vector<16xf32>
      %jit3A_368 = arith.constant 0x7F800000 : f32
      %broadcast_in_dim3A_369 = vector.broadcast %jit3A_368 : f32 to vector<16xf32>
      %select_n3A_370 = arith.select %le3A_367, %broadcast_in_dim3A_369, %select_n3A_326 : vector<16xi1>, vector<16xf32>
      %le3A_371 = arith.cmpf ole, %select_n3A_330, %broadcast_in_dim3A_366 : vector<16xf32>
      %jit3A_372 = arith.constant 0x7F800000 : f32
      %broadcast_in_dim3A_373 = vector.broadcast %jit3A_372 : f32 to vector<16xf32>
      %select_n3A_374 = arith.select %le3A_371, %broadcast_in_dim3A_373, %select_n3A_330 : vector<16xi1>, vector<16xf32>
      %le3A_375 = arith.cmpf ole, %select_n3A_334, %broadcast_in_dim3A_366 : vector<16xf32>
      %jit3A_376 = arith.constant 0x7F800000 : f32
      %broadcast_in_dim3A_377 = vector.broadcast %jit3A_376 : f32 to vector<16xf32>
      %select_n3A_378 = arith.select %le3A_375, %broadcast_in_dim3A_377, %select_n3A_334 : vector<16xi1>, vector<16xf32>
      %le3A_379 = arith.cmpf ole, %select_n3A_338, %broadcast_in_dim3A_366 : vector<16xf32>
      %jit3A_380 = arith.constant 0x7F800000 : f32
      %broadcast_in_dim3A_381 = vector.broadcast %jit3A_380 : f32 to vector<16xf32>
      %select_n3A_382 = arith.select %le3A_379, %broadcast_in_dim3A_381, %select_n3A_338 : vector<16xi1>, vector<16xf32>
      %le3A_383 = arith.cmpf ole, %select_n3A_342, %broadcast_in_dim3A_366 : vector<16xf32>
      %jit3A_384 = arith.constant 0x7F800000 : f32
      %broadcast_in_dim3A_385 = vector.broadcast %jit3A_384 : f32 to vector<16xf32>
      %select_n3A_386 = arith.select %le3A_383, %broadcast_in_dim3A_385, %select_n3A_342 : vector<16xi1>, vector<16xf32>
      %le3A_387 = arith.cmpf ole, %select_n3A_346, %broadcast_in_dim3A_366 : vector<16xf32>
      %jit3A_388 = arith.constant 0x7F800000 : f32
      %broadcast_in_dim3A_389 = vector.broadcast %jit3A_388 : f32 to vector<16xf32>
      %select_n3A_390 = arith.select %le3A_387, %broadcast_in_dim3A_389, %select_n3A_346 : vector<16xi1>, vector<16xf32>
      %le3A_391 = arith.cmpf ole, %select_n3A_350, %broadcast_in_dim3A_366 : vector<16xf32>
      %jit3A_392 = arith.constant 0x7F800000 : f32
      %broadcast_in_dim3A_393 = vector.broadcast %jit3A_392 : f32 to vector<16xf32>
      %select_n3A_394 = arith.select %le3A_391, %broadcast_in_dim3A_393, %select_n3A_350 : vector<16xi1>, vector<16xf32>
      %le3A_395 = arith.cmpf ole, %select_n3A_354, %broadcast_in_dim3A_366 : vector<16xf32>
      %jit3A_396 = arith.constant 0x7F800000 : f32
      %broadcast_in_dim3A_397 = vector.broadcast %jit3A_396 : f32 to vector<16xf32>
      %select_n3A_398 = arith.select %le3A_395, %broadcast_in_dim3A_397, %select_n3A_354 : vector<16xi1>, vector<16xf32>
      %min3A_399 = arith.minimumf %select_n3A_370, %select_n3A_374 : vector<16xf32>
      %min3A_400 = arith.minimumf %min3A_399, %select_n3A_378 : vector<16xf32>
      %min3A_401 = arith.minimumf %min3A_400, %select_n3A_382 : vector<16xf32>
      %min3A_402 = arith.minimumf %min3A_401, %select_n3A_386 : vector<16xf32>
      %min3A_403 = arith.minimumf %min3A_402, %select_n3A_390 : vector<16xf32>
      %min3A_404 = arith.minimumf %min3A_403, %select_n3A_394 : vector<16xf32>
      %min3A_405 = arith.minimumf %min3A_404, %select_n3A_398 : vector<16xf32>
      %reduce_min3A_406 = arith.constant true
      %reduce_min3A_407 = vector.broadcast %reduce_min3A_406 : i1 to vector<16xi1>
      %reduce_min3A_408 = tpu.scan <min>, %min3A_405 masked %reduce_min3A_407 : vector<16xf32>, vector<16xi1> -> vector<16xf32>
      %reduce_min3A_409 = vector.extract %reduce_min3A_408[15] : f32 from vector<16xf32>
      %broadcast_in_dim3A_410 = vector.broadcast %reduce_min3A_409 : f32 to vector<16xf32>
      %le3A_411 = arith.cmpf ole, %select_n3A_370, %broadcast_in_dim3A_410 : vector<16xf32>
      %jit3A_412 = arith.constant 0x7F800000 : f32
      %broadcast_in_dim3A_413 = vector.broadcast %jit3A_412 : f32 to vector<16xf32>
      %select_n3A_414 = arith.select %le3A_411, %broadcast_in_dim3A_413, %select_n3A_370 : vector<16xi1>, vector<16xf32>
      %le3A_415 = arith.cmpf ole, %select_n3A_374, %broadcast_in_dim3A_410 : vector<16xf32>
      %jit3A_416 = arith.constant 0x7F800000 : f32
      %broadcast_in_dim3A_417 = vector.broadcast %jit3A_416 : f32 to vector<16xf32>
      %select_n3A_418 = arith.select %le3A_415, %broadcast_in_dim3A_417, %select_n3A_374 : vector<16xi1>, vector<16xf32>
      %le3A_419 = arith.cmpf ole, %select_n3A_378, %broadcast_in_dim3A_410 : vector<16xf32>
      %jit3A_420 = arith.constant 0x7F800000 : f32
      %broadcast_in_dim3A_421 = vector.broadcast %jit3A_420 : f32 to vector<16xf32>
      %select_n3A_422 = arith.select %le3A_419, %broadcast_in_dim3A_421, %select_n3A_378 : vector<16xi1>, vector<16xf32>
      %le3A_423 = arith.cmpf ole, %select_n3A_382, %broadcast_in_dim3A_410 : vector<16xf32>
      %jit3A_424 = arith.constant 0x7F800000 : f32
      %broadcast_in_dim3A_425 = vector.broadcast %jit3A_424 : f32 to vector<16xf32>
      %select_n3A_426 = arith.select %le3A_423, %broadcast_in_dim3A_425, %select_n3A_382 : vector<16xi1>, vector<16xf32>
      %le3A_427 = arith.cmpf ole, %select_n3A_386, %broadcast_in_dim3A_410 : vector<16xf32>
      %jit3A_428 = arith.constant 0x7F800000 : f32
      %broadcast_in_dim3A_429 = vector.broadcast %jit3A_428 : f32 to vector<16xf32>
      %select_n3A_430 = arith.select %le3A_427, %broadcast_in_dim3A_429, %select_n3A_386 : vector<16xi1>, vector<16xf32>
      %le3A_431 = arith.cmpf ole, %select_n3A_390, %broadcast_in_dim3A_410 : vector<16xf32>
      %jit3A_432 = arith.constant 0x7F800000 : f32
      %broadcast_in_dim3A_433 = vector.broadcast %jit3A_432 : f32 to vector<16xf32>
      %select_n3A_434 = arith.select %le3A_431, %broadcast_in_dim3A_433, %select_n3A_390 : vector<16xi1>, vector<16xf32>
      %le3A_435 = arith.cmpf ole, %select_n3A_394, %broadcast_in_dim3A_410 : vector<16xf32>
      %jit3A_436 = arith.constant 0x7F800000 : f32
      %broadcast_in_dim3A_437 = vector.broadcast %jit3A_436 : f32 to vector<16xf32>
      %select_n3A_438 = arith.select %le3A_435, %broadcast_in_dim3A_437, %select_n3A_394 : vector<16xi1>, vector<16xf32>
      %le3A_439 = arith.cmpf ole, %select_n3A_398, %broadcast_in_dim3A_410 : vector<16xf32>
      %jit3A_440 = arith.constant 0x7F800000 : f32
      %broadcast_in_dim3A_441 = vector.broadcast %jit3A_440 : f32 to vector<16xf32>
      %select_n3A_442 = arith.select %le3A_439, %broadcast_in_dim3A_441, %select_n3A_398 : vector<16xi1>, vector<16xf32>
      %min3A_443 = arith.minimumf %select_n3A_414, %select_n3A_418 : vector<16xf32>
      %min3A_444 = arith.minimumf %min3A_443, %select_n3A_422 : vector<16xf32>
      %min3A_445 = arith.minimumf %min3A_444, %select_n3A_426 : vector<16xf32>
      %min3A_446 = arith.minimumf %min3A_445, %select_n3A_430 : vector<16xf32>
      %min3A_447 = arith.minimumf %min3A_446, %select_n3A_434 : vector<16xf32>
      %min3A_448 = arith.minimumf %min3A_447, %select_n3A_438 : vector<16xf32>
      %min3A_449 = arith.minimumf %min3A_448, %select_n3A_442 : vector<16xf32>
      %reduce_min3A_450 = arith.constant true
      %reduce_min3A_451 = vector.broadcast %reduce_min3A_450 : i1 to vector<16xi1>
      %reduce_min3A_452 = tpu.scan <min>, %min3A_449 masked %reduce_min3A_451 : vector<16xf32>, vector<16xi1> -> vector<16xf32>
      %reduce_min3A_453 = vector.extract %reduce_min3A_452[15] : f32 from vector<16xf32>
      %broadcast_in_dim3A_454 = vector.broadcast %reduce_min3A_453 : f32 to vector<16xf32>
      %broadcast_in_dim3A_455 = arith.constant 0.000000e+00 : f32
      %broadcast_in_dim3A_456 = vector.broadcast %broadcast_in_dim3A_455 : f32 to vector<16xf32>
      %scan3A_457 = arith.constant 0 : i32
      %scan3A_458 = arith.constant 128 : i32
      %scan3A_459 = arith.addi %scan3A_457, %scan3A_458 : i32
      %scan3A_460 = arith.constant 1 : i32
      %scan3A_461:4 = scf.for %scan3A_497 = %scan3A_457 to %scan3A_459 step %scan3A_460 iter_args(%scan3A_498 = %broadcast_in_dim3A_456, %scan3A_499 = %broadcast_in_dim3A_456, %scan3A_500 = %broadcast_in_dim3A_456, %scan3A_501 = %broadcast_in_dim3A_456) -> (vector<16xf32>, vector<16xf32>, vector<16xf32>, vector<16xf32>)  : i32 {
        %get3A_502 = arith.index_cast %scan3A_497 : i32 to index
        %get3A_503 = arith.constant 0 : index
        %get3A_504 = tpu.vector_load %arg7[%get3A_502, %get3A_503] {strides = array<i32>} : memref<128x16xf32, #tpu.memory_space<vmem>>, vector<16xf32>,
        %mul3A_505 = arith.constant 16 : i32
        %mul3A_506 = arith.muli %scan3A_497, %mul3A_505 : i32
        %get3A_507 = arith.index_cast %mul3A_506 : i32 to index
        %get3A_508 = tpu.vector_load %arg4[%get3A_507] {strides = array<i32>} : memref<2048xf32, #tpu.memory_space<vmem>>, vector<16xf32>,
        %mul3A_509 = arith.constant 16 : i32
        %mul3A_510 = arith.muli %scan3A_497, %mul3A_509 : i32
        %get3A_511 = arith.index_cast %mul3A_510 : i32 to index
        %get3A_512 = tpu.vector_load %arg5[%get3A_511] {strides = array<i32>} : memref<2048xf32, #tpu.memory_space<vmem>>, vector<16xf32>,
        %mul3A_513 = arith.constant 16 : i32
        %mul3A_514 = arith.muli %scan3A_497, %mul3A_513 : i32
        %get3A_515 = arith.index_cast %mul3A_514 : i32 to index
        %get3A_516 = tpu.vector_load %arg6[%get3A_515] {strides = array<i32>} : memref<2048xf32, #tpu.memory_space<vmem>>, vector<16xf32>,
        %le3A_517 = arith.cmpf ole, %get3A_504, %broadcast_in_dim3A_454 : vector<16xf32>
        %jit3A_518 = arith.constant 0.000000e+00 : f32
        %broadcast_in_dim3A_519 = vector.broadcast %jit3A_518 : f32 to vector<16xf32>
        %select_n3A_520 = arith.select %le3A_517, %get3A_508, %broadcast_in_dim3A_519 : vector<16xi1>, vector<16xf32>
        %add3A_521 = arith.addf %scan3A_498, %select_n3A_520 : vector<16xf32>
        %jit3A_522 = arith.constant 0.000000e+00 : f32
        %broadcast_in_dim3A_523 = vector.broadcast %jit3A_522 : f32 to vector<16xf32>
        %select_n3A_524 = arith.select %le3A_517, %get3A_512, %broadcast_in_dim3A_523 : vector<16xi1>, vector<16xf32>
        %add3A_525 = arith.addf %scan3A_499, %select_n3A_524 : vector<16xf32>
        %jit3A_526 = arith.constant 0.000000e+00 : f32
        %broadcast_in_dim3A_527 = vector.broadcast %jit3A_526 : f32 to vector<16xf32>
        %select_n3A_528 = arith.select %le3A_517, %get3A_516, %broadcast_in_dim3A_527 : vector<16xi1>, vector<16xf32>
        %add3A_529 = arith.addf %scan3A_500, %select_n3A_528 : vector<16xf32>
        %jit3A_530 = arith.constant 1.000000e+00 : f32
        %jit3A_531 = arith.constant 0.000000e+00 : f32
        %broadcast_in_dim3A_532 = vector.broadcast %jit3A_530 : f32 to vector<16xf32>
        %broadcast_in_dim3A_533 = vector.broadcast %jit3A_531 : f32 to vector<16xf32>
        %select_n3A_534 = arith.select %le3A_517, %broadcast_in_dim3A_532, %broadcast_in_dim3A_533 : vector<16xi1>, vector<16xf32>
        %add3A_535 = arith.addf %scan3A_501, %select_n3A_534 : vector<16xf32>
        scf.yield %add3A_521, %add3A_525, %add3A_529, %add3A_535 : vector<16xf32>, vector<16xf32>, vector<16xf32>, vector<16xf32>
      }
      %scan3A_462 = arith.constant 128 : i32
      %swap3A_463 = arith.index_cast %add3A_82 : i32 to index
      %swap3A_464 = tpu.vector_load %arg4[%swap3A_463] {strides = array<i32>} : memref<2048xf32, #tpu.memory_space<vmem>>, vector<16xf32>,
      tpu.vector_store %arg4[%swap3A_463], %get3A_101 {strides = array<i32>} : memref<2048xf32, #tpu.memory_space<vmem>>, vector<16xf32>,
      %reduce_sum3A_465 = arith.constant true
      %reduce_sum3A_466 = vector.broadcast %reduce_sum3A_465 : i1 to vector<16xi1>
      %reduce_sum3A_467 = tpu.scan <sum>, %scan3A_461#3 masked %reduce_sum3A_466 : vector<16xf32>, vector<16xi1> -> vector<16xf32>
      %reduce_sum3A_468 = vector.extract %reduce_sum3A_467[15] : f32 from vector<16xf32>
      %broadcast_in_dim3A_469 = vector.broadcast %reduce_sum3A_468 : f32 to vector<16xf32>
      %reduce_sum3A_470 = arith.constant true
      %reduce_sum3A_471 = vector.broadcast %reduce_sum3A_470 : i1 to vector<16xi1>
      %reduce_sum3A_472 = tpu.scan <sum>, %scan3A_461#0 masked %reduce_sum3A_471 : vector<16xf32>, vector<16xi1> -> vector<16xf32>
      %reduce_sum3A_473 = vector.extract %reduce_sum3A_472[15] : f32 from vector<16xf32>
      %broadcast_in_dim3A_474 = vector.broadcast %reduce_sum3A_473 : f32 to vector<16xf32>
      %div3A_475 = arith.divf %broadcast_in_dim3A_474, %broadcast_in_dim3A_469 : vector<16xf32>
      %sub3A_476 = arith.subf %broadcast_in_dim3A_112, %div3A_475 : vector<16xf32>
      %reduce_sum3A_477 = arith.constant true
      %reduce_sum3A_478 = vector.broadcast %reduce_sum3A_477 : i1 to vector<16xi1>
      %reduce_sum3A_479 = tpu.scan <sum>, %scan3A_461#1 masked %reduce_sum3A_478 : vector<16xf32>, vector<16xi1> -> vector<16xf32>
      %reduce_sum3A_480 = vector.extract %reduce_sum3A_479[15] : f32 from vector<16xf32>
      %broadcast_in_dim3A_481 = vector.broadcast %reduce_sum3A_480 : f32 to vector<16xf32>
      %div3A_482 = arith.divf %broadcast_in_dim3A_481, %broadcast_in_dim3A_469 : vector<16xf32>
      %sub3A_483 = arith.subf %broadcast_in_dim3A_120, %div3A_482 : vector<16xf32>
      %reduce_sum3A_484 = arith.constant true
      %reduce_sum3A_485 = vector.broadcast %reduce_sum3A_484 : i1 to vector<16xi1>
      %reduce_sum3A_486 = tpu.scan <sum>, %scan3A_461#2 masked %reduce_sum3A_485 : vector<16xf32>, vector<16xi1> -> vector<16xf32>
      %reduce_sum3A_487 = vector.extract %reduce_sum3A_486[15] : f32 from vector<16xf32>
      %broadcast_in_dim3A_488 = vector.broadcast %reduce_sum3A_487 : f32 to vector<16xf32>
      %div3A_489 = arith.divf %broadcast_in_dim3A_488, %broadcast_in_dim3A_469 : vector<16xf32>
      %sub3A_490 = arith.subf %broadcast_in_dim3A_128, %div3A_489 : vector<16xf32>
      %mul3A_491 = arith.mulf %sub3A_476, %sub3A_476 : vector<16xf32>
      %add3A_492 = arith.addf %scan3A_55, %mul3A_491 : vector<16xf32>
      %mul3A_493 = arith.mulf %sub3A_483, %sub3A_483 : vector<16xf32>
      %add3A_494 = arith.addf %add3A_492, %mul3A_493 : vector<16xf32>
      %mul3A_495 = arith.mulf %sub3A_490, %sub3A_490 : vector<16xf32>
      %add3A_496 = arith.addf %add3A_494, %mul3A_495 : vector<16xf32>
      scf.yield %add3A_496 : vector<16xf32>
    }
    %scan3A_52 = arith.constant 64 : i32
    %swap3A = arith.constant 0 : index
    %swap3A_53 = tpu.vector_load %arg8[%swap3A] {strides = array<i32>} : memref<16xf32, #tpu.memory_space<vmem>>, vector<16xf32>,
    tpu.vector_store %arg8[%swap3A], %scan3A_51 {strides = array<i32>} : memref<16xf32, #tpu.memory_space<vmem>>, vector<16xf32>,
    "tpu.region"() ({
      %run_scoped3A = tpu.sem_alloc : memref<!tpu.dma_semaphore, #tpu.memory_space<semaphore_mem>>
      %dma_start3A = arith.constant 0 : i32
      %dma_start3A_54 = tpu.memref_slice %arg3[%add3A, %dma_start3A] : memref<32x16xf32, #tpu.memory_space<hbm>> -> memref<1x16xf32, #tpu.memory_space<hbm>>
      %dma_start3A_55 = tpu.memref_squeeze %dma_start3A_54 : memref<1x16xf32, #tpu.memory_space<hbm>> -> memref<16xf32, #tpu.memory_space<hbm>>
      %dma_start3A_56 = arith.constant 0 : i32
      %dma_start3A_57 = tpu.memref_slice %arg3[%add3A, %dma_start3A_56] : memref<32x16xf32, #tpu.memory_space<hbm>> -> memref<1x16xf32, #tpu.memory_space<hbm>>
      %dma_start3A_58 = tpu.memref_squeeze %dma_start3A_57 : memref<1x16xf32, #tpu.memory_space<hbm>> -> memref<16xf32, #tpu.memory_space<hbm>>
      tpu.enqueue_dma source(%arg8 : memref<16xf32, #tpu.memory_space<vmem>>) target(%dma_start3A_58 : memref<16xf32, #tpu.memory_space<hbm>>) target_semaphore(%run_scoped3A : memref<!tpu.dma_semaphore, #tpu.memory_space<semaphore_mem>>)
      %dma_wait3A = arith.constant 0 : i32
      %dma_wait3A_59 = tpu.memref_slice %arg3[%add3A, %dma_wait3A] : memref<32x16xf32, #tpu.memory_space<hbm>> -> memref<1x16xf32, #tpu.memory_space<hbm>>
      %dma_wait3A_60 = tpu.memref_squeeze %dma_wait3A_59 : memref<1x16xf32, #tpu.memory_space<hbm>> -> memref<16xf32, #tpu.memory_space<hbm>>
      %dma_wait3A_61 = arith.constant 0 : i32
      %dma_wait3A_62 = tpu.memref_slice %arg3[%add3A, %dma_wait3A_61] : memref<32x16xf32, #tpu.memory_space<hbm>> -> memref<1x16xf32, #tpu.memory_space<hbm>>
      %dma_wait3A_63 = tpu.memref_squeeze %dma_wait3A_62 : memref<1x16xf32, #tpu.memory_space<hbm>> -> memref<16xf32, #tpu.memory_space<hbm>>
      tpu.wait_dma2 semaphore(%run_scoped3A : memref<!tpu.dma_semaphore, #tpu.memory_space<semaphore_mem>>) src(%arg8 : memref<16xf32, #tpu.memory_space<vmem>>) dst(%dma_wait3A_63 : memref<16xf32, #tpu.memory_space<hbm>>)
      tpu.yield
    }) : () -> ()
    return
  }
}

module attributes {stable_mosaic.version = 14 : i64} {
  func.func @_tc_body(%arg0: i32, %arg1: i32, %arg2: memref<1x256x3xf32, #tpu.memory_space<vmem>>, %arg3: memref<1x3x2048xf32, #tpu.memory_space<vmem>>, %arg4: memref<1x3x2048xf32, #tpu.memory_space<vmem>>, %arg5: memref<1x1x512xf32, #tpu.memory_space<vmem>>, %arg6: memref<1x1x512xf32, #tpu.memory_space<vmem>>, %arg7: memref<1x4xf32, #tpu.memory_space<smem>>, %arg8: memref<1x2048xf32, #tpu.memory_space<vmem>>, %arg9: memref<4xf32, #tpu.memory_space<smem>>, %arg10: memref<256x1xf32, #tpu.memory_space<vmem>>, %arg11: memref<256x1xf32, #tpu.memory_space<vmem>>) attributes {dimension_semantics = [#tpu.dimension_semantics<arbitrary>, #tpu.dimension_semantics<arbitrary>], iteration_bounds = array<i64: 4, 8>, scalar_prefetch = 0 : i64, scratch_operands = 4 : i64, tpu.core_type = #tpu.core_type<tc>, window_params = [{transform_indices = @transform_0, window_bounds = array<i64: 1, 256, 3>}, {transform_indices = @transform_1, window_bounds = array<i64: 1, 3, 2048>}, {transform_indices = @transform_2, window_bounds = array<i64: 1, 3, 2048>}, {transform_indices = @transform_3, window_bounds = array<i64: 1, 1, 512>}, {transform_indices = @transform_4, window_bounds = array<i64: 1, 1, 512>}, {transform_indices = @transform_5, window_bounds = array<i64: 1, 4>}]} {
    %get3A = arith.constant 0 : index
    %get3A_0 = arith.constant 0 : index
    %get3A_1 = arith.constant 0 : index
    %get3A_2 = vector.load %arg2[%get3A, %get3A_0, %get3A_1] : memref<1x256x3xf32, #tpu.memory_space<vmem>>, vector<1x256x3xf32>
    %get3A_3 = vector.shape_cast %get3A_2 : vector<1x256x3xf32> to vector<256x3xf32>
    %get3A_4 = arith.constant 0 : index
    %get3A_5 = arith.constant 0 : index
    %get3A_6 = arith.constant 0 : index
    %get3A_7 = vector.load %arg3[%get3A_4, %get3A_5, %get3A_6] : memref<1x3x2048xf32, #tpu.memory_space<vmem>>, vector<1x3x2048xf32>
    %get3A_8 = vector.shape_cast %get3A_7 : vector<1x3x2048xf32> to vector<3x2048xf32>
    %get3A_9 = arith.constant 0 : index
    %get3A_10 = arith.constant 0 : index
    %get3A_11 = arith.constant 0 : index
    %get3A_12 = vector.load %arg4[%get3A_9, %get3A_10, %get3A_11] : memref<1x3x2048xf32, #tpu.memory_space<vmem>>, vector<1x3x2048xf32>
    %get3A_13 = vector.shape_cast %get3A_12 : vector<1x3x2048xf32> to vector<3x2048xf32>
    %slice3A = vector.extract_strided_slice %get3A_3 {offsets = [0, 0], sizes = [256, 1], strides = [1, 1]} : vector<256x3xf32> to vector<256x1xf32>
    %slice3A_14 = vector.extract_strided_slice %get3A_3 {offsets = [0, 1], sizes = [256, 1], strides = [1, 1]} : vector<256x3xf32> to vector<256x1xf32>
    %slice3A_15 = vector.extract_strided_slice %get3A_3 {offsets = [0, 2], sizes = [256, 1], strides = [1, 1]} : vector<256x3xf32> to vector<256x1xf32>
    %slice3A_16 = vector.extract_strided_slice %get3A_13 {offsets = [0, 0], sizes = [1, 2048], strides = [1, 1]} : vector<3x2048xf32> to vector<1x2048xf32>
    %sub3A = vector.broadcast %slice3A : vector<256x1xf32> to vector<256x2048xf32>
    %sub3A_17 = vector.broadcast %slice3A_16 : vector<1x2048xf32> to vector<256x2048xf32>
    %sub3A_18 = arith.subf %sub3A, %sub3A_17 : vector<256x2048xf32>
    %slice3A_19 = vector.extract_strided_slice %get3A_13 {offsets = [1, 0], sizes = [1, 2048], strides = [1, 1]} : vector<3x2048xf32> to vector<1x2048xf32>
    %sub3A_20 = vector.broadcast %slice3A_14 : vector<256x1xf32> to vector<256x2048xf32>
    %sub3A_21 = vector.broadcast %slice3A_19 : vector<1x2048xf32> to vector<256x2048xf32>
    %sub3A_22 = arith.subf %sub3A_20, %sub3A_21 : vector<256x2048xf32>
    %slice3A_23 = vector.extract_strided_slice %get3A_13 {offsets = [2, 0], sizes = [1, 2048], strides = [1, 1]} : vector<3x2048xf32> to vector<1x2048xf32>
    %sub3A_24 = vector.broadcast %slice3A_15 : vector<256x1xf32> to vector<256x2048xf32>
    %sub3A_25 = vector.broadcast %slice3A_23 : vector<1x2048xf32> to vector<256x2048xf32>
    %sub3A_26 = arith.subf %sub3A_24, %sub3A_25 : vector<256x2048xf32>
    %mul3A = arith.mulf %sub3A_18, %sub3A_18 : vector<256x2048xf32>
    %mul3A_27 = arith.mulf %sub3A_22, %sub3A_22 : vector<256x2048xf32>
    %add3A = arith.addf %mul3A, %mul3A_27 : vector<256x2048xf32>
    %mul3A_28 = arith.mulf %sub3A_26, %sub3A_26 : vector<256x2048xf32>
    %add3A_29 = arith.addf %add3A, %mul3A_28 : vector<256x2048xf32>
    %eq3A = arith.constant 0 : i32
    %eq3A_30 = arith.cmpi eq, %arg0, %eq3A : i32
    %eq3A_31 = arith.constant 0 : i32
    %eq3A_32 = arith.cmpi eq, %arg1, %eq3A_31 : i32
    %and3A = arith.andi %eq3A_30, %eq3A_32 : i1
    %convert_element_type3A = arith.extui %and3A : i1 to i32
    %cond3A = arith.constant 0 : i32
    %cond3A_33 = arith.cmpi ne, %convert_element_type3A, %cond3A : i32
    scf.if %cond3A_33 {
      %swap3A_75 = arith.constant 0.000000e+00 : f32
      %swap3A_76 = arith.constant 1 : index
      %swap3A_77 = memref.load %arg9[%swap3A_76] : memref<4xf32, #tpu.memory_space<smem>>
      memref.store %swap3A_75, %arg9[%swap3A_76] : memref<4xf32, #tpu.memory_space<smem>>
      %swap3A_78 = arith.constant 0.000000e+00 : f32
      %swap3A_79 = arith.constant 3 : index
      %swap3A_80 = memref.load %arg9[%swap3A_79] : memref<4xf32, #tpu.memory_space<smem>>
      memref.store %swap3A_78, %arg9[%swap3A_79] : memref<4xf32, #tpu.memory_space<smem>>
      %broadcast_in_dim3A_81 = arith.constant 0.000000e+00 : f32
      %broadcast_in_dim3A_82 = vector.broadcast %broadcast_in_dim3A_81 : f32 to vector<256x1xf32>
      %swap3A_83 = arith.constant 0 : index
      %swap3A_84 = arith.constant 0 : index
      %swap3A_85 = vector.load %arg10[%swap3A_83, %swap3A_84] : memref<256x1xf32, #tpu.memory_space<vmem>>, vector<256x1xf32>
      tpu.vector_store %arg10[%swap3A_83, %swap3A_84], %broadcast_in_dim3A_82 {strides = array<i32>} : memref<256x1xf32, #tpu.memory_space<vmem>>, vector<256x1xf32>,
      %broadcast_in_dim3A_86 = arith.constant 0.000000e+00 : f32
      %broadcast_in_dim3A_87 = vector.broadcast %broadcast_in_dim3A_86 : f32 to vector<256x1xf32>
      %swap3A_88 = arith.constant 0 : index
      %swap3A_89 = arith.constant 0 : index
      %swap3A_90 = vector.load %arg11[%swap3A_88, %swap3A_89] : memref<256x1xf32, #tpu.memory_space<vmem>>, vector<256x1xf32>
      tpu.vector_store %arg11[%swap3A_88, %swap3A_89], %broadcast_in_dim3A_87 {strides = array<i32>} : memref<256x1xf32, #tpu.memory_space<vmem>>, vector<256x1xf32>,
    } else {
    }
    %get3A_34 = arith.constant 0 : index
    %get3A_35 = arith.constant 0 : index
    %get3A_36 = vector.load %arg10[%get3A_34, %get3A_35] : memref<256x1xf32, #tpu.memory_space<vmem>>, vector<256x1xf32>
    %reduce_min3A = arith.constant dense<0x7F800000> : vector<256xf32>
    %reduce_min3A_37 = vector.multi_reduction <minimumf>, %add3A_29, %reduce_min3A [1] : vector<256x2048xf32> to vector<256xf32>
    %broadcast_in_dim3A = vector.shape_cast %reduce_min3A_37 : vector<256xf32> to vector<256x1xf32>
    %add3A_38 = arith.addf %get3A_36, %broadcast_in_dim3A : vector<256x1xf32>
    %swap3A = arith.constant 0 : index
    %swap3A_39 = arith.constant 0 : index
    %swap3A_40 = vector.load %arg10[%swap3A, %swap3A_39] : memref<256x1xf32, #tpu.memory_space<vmem>>, vector<256x1xf32>
    tpu.vector_store %arg10[%swap3A, %swap3A_39], %add3A_38 {strides = array<i32>} : memref<256x1xf32, #tpu.memory_space<vmem>>, vector<256x1xf32>,
    %reduce_min3A_41 = arith.constant dense<0x7F800000> : vector<2048xf32>
    %reduce_min3A_42 = vector.multi_reduction <minimumf>, %add3A_29, %reduce_min3A_41 [0] : vector<256x2048xf32> to vector<2048xf32>
    %broadcast_in_dim3A_43 = vector.shape_cast %reduce_min3A_42 : vector<2048xf32> to vector<1x2048xf32>
    %eq3A_44 = arith.constant 0 : i32
    %eq3A_45 = arith.cmpi eq, %arg1, %eq3A_44 : i32
    %convert_element_type3A_46 = arith.extui %eq3A_45 : i1 to i32
    %cond3A_47 = arith.constant 0 : i32
    %cond3A_48 = arith.cmpi ne, %convert_element_type3A_46, %cond3A_47 : i32
    scf.if %cond3A_48 {
      %swap3A_75 = arith.constant 0 : index
      %swap3A_76 = arith.constant 0 : index
      %swap3A_77 = vector.load %arg8[%swap3A_75, %swap3A_76] : memref<1x2048xf32, #tpu.memory_space<vmem>>, vector<1x2048xf32>
      tpu.vector_store %arg8[%swap3A_75, %swap3A_76], %broadcast_in_dim3A_43 {strides = array<i32>} : memref<1x2048xf32, #tpu.memory_space<vmem>>, vector<1x2048xf32>,
    } else {
    }
    %gt3A = arith.constant 0 : i32
    %gt3A_49 = arith.cmpi sgt, %arg1, %gt3A : i32
    %convert_element_type3A_50 = arith.extui %gt3A_49 : i1 to i32
    %cond3A_51 = arith.constant 0 : i32
    %cond3A_52 = arith.cmpi ne, %convert_element_type3A_50, %cond3A_51 : i32
    scf.if %cond3A_52 {
      %get3A_75 = arith.constant 0 : index
      %get3A_76 = arith.constant 0 : index
      %get3A_77 = vector.load %arg8[%get3A_75, %get3A_76] : memref<1x2048xf32, #tpu.memory_space<vmem>>, vector<1x2048xf32>
      %min3A = arith.minimumf %get3A_77, %broadcast_in_dim3A_43 : vector<1x2048xf32>
      %swap3A_78 = arith.constant 0 : index
      %swap3A_79 = arith.constant 0 : index
      %swap3A_80 = vector.load %arg8[%swap3A_78, %swap3A_79] : memref<1x2048xf32, #tpu.memory_space<vmem>>, vector<1x2048xf32>
      tpu.vector_store %arg8[%swap3A_78, %swap3A_79], %min3A {strides = array<i32>} : memref<1x2048xf32, #tpu.memory_space<vmem>>, vector<1x2048xf32>,
    } else {
    }
    %eq3A_53 = arith.constant 7 : i32
    %eq3A_54 = arith.cmpi eq, %arg1, %eq3A_53 : i32
    %convert_element_type3A_55 = arith.extui %eq3A_54 : i1 to i32
    %cond3A_56 = arith.constant 0 : i32
    %cond3A_57 = arith.cmpi ne, %convert_element_type3A_55, %cond3A_56 : i32
    scf.if %cond3A_57 {
      %get3A_75 = arith.constant 1 : index
      %get3A_76 = memref.load %arg9[%get3A_75] : memref<4xf32, #tpu.memory_space<smem>>
      %get3A_77 = arith.constant 0 : index
      %get3A_78 = arith.constant 0 : index
      %get3A_79 = vector.load %arg8[%get3A_77, %get3A_78] : memref<1x2048xf32, #tpu.memory_space<vmem>>, vector<1x2048xf32>
      %reduce_sum3A = vector.shape_cast %get3A_79 : vector<1x2048xf32> to vector<1x1x2048xf32>
      %reduce_sum3A_80 = arith.constant dense<0.000000e+00> : vector<1xf32>
      %reduce_sum3A_81 = vector.multi_reduction <add>, %reduce_sum3A, %reduce_sum3A_80 [1, 2] : vector<1x1x2048xf32> to vector<1xf32>
      %reduce_sum3A_82 = vector.shape_cast %reduce_sum3A_81 : vector<1xf32> to vector<1x1x1xf32>
      %reduce_sum3A_83 = vector.extract %reduce_sum3A_82[0, 0, 0] : f32 from vector<1x1x1xf32>
      %add3A_84 = arith.addf %get3A_76, %reduce_sum3A_83 : f32
      %swap3A_85 = arith.constant 1 : index
      %swap3A_86 = memref.load %arg9[%swap3A_85] : memref<4xf32, #tpu.memory_space<smem>>
      memref.store %add3A_84, %arg9[%swap3A_85] : memref<4xf32, #tpu.memory_space<smem>>
    } else {
    }
    %lt3A = arith.constant 6 : i32
    %lt3A_58 = arith.cmpi slt, %arg1, %lt3A : i32
    %convert_element_type3A_59 = arith.extui %lt3A_58 : i1 to i32
    %cond3A_60 = arith.constant 0 : i32
    %cond3A_61 = arith.cmpi ne, %convert_element_type3A_59, %cond3A_60 : i32
    scf.if %cond3A_61 {
      %slice3A_75 = vector.extract_strided_slice %get3A_8 {offsets = [0, 0], sizes = [1, 2048], strides = [1, 1]} : vector<3x2048xf32> to vector<1x2048xf32>
      %sub3A_76 = vector.broadcast %slice3A : vector<256x1xf32> to vector<256x2048xf32>
      %sub3A_77 = vector.broadcast %slice3A_75 : vector<1x2048xf32> to vector<256x2048xf32>
      %sub3A_78 = arith.subf %sub3A_76, %sub3A_77 : vector<256x2048xf32>
      %slice3A_79 = vector.extract_strided_slice %get3A_8 {offsets = [1, 0], sizes = [1, 2048], strides = [1, 1]} : vector<3x2048xf32> to vector<1x2048xf32>
      %sub3A_80 = vector.broadcast %slice3A_14 : vector<256x1xf32> to vector<256x2048xf32>
      %sub3A_81 = vector.broadcast %slice3A_79 : vector<1x2048xf32> to vector<256x2048xf32>
      %sub3A_82 = arith.subf %sub3A_80, %sub3A_81 : vector<256x2048xf32>
      %slice3A_83 = vector.extract_strided_slice %get3A_8 {offsets = [2, 0], sizes = [1, 2048], strides = [1, 1]} : vector<3x2048xf32> to vector<1x2048xf32>
      %sub3A_84 = vector.broadcast %slice3A_15 : vector<256x1xf32> to vector<256x2048xf32>
      %sub3A_85 = vector.broadcast %slice3A_83 : vector<1x2048xf32> to vector<256x2048xf32>
      %sub3A_86 = arith.subf %sub3A_84, %sub3A_85 : vector<256x2048xf32>
      %mul3A_87 = arith.mulf %sub3A_78, %sub3A_78 : vector<256x2048xf32>
      %mul3A_88 = arith.mulf %sub3A_82, %sub3A_82 : vector<256x2048xf32>
      %add3A_89 = arith.addf %mul3A_87, %mul3A_88 : vector<256x2048xf32>
      %mul3A_90 = arith.mulf %sub3A_86, %sub3A_86 : vector<256x2048xf32>
      %add3A_91 = arith.addf %add3A_89, %mul3A_90 : vector<256x2048xf32>
      %mul3A_92 = arith.constant 256 : i32
      %mul3A_93 = arith.muli %arg1, %mul3A_92 : i32
      %iota3A = tpu.iota {dimensions = array<i32: 0>} : vector<256x2048xi32>
      %add3A_94 = vector.broadcast %mul3A_93 : i32 to vector<256x2048xi32>
      %add3A_95 = arith.addi %add3A_94, %iota3A : vector<256x2048xi32>
      %iota3A_96 = tpu.iota {dimensions = array<i32: 1>} : vector<256x2048xi32>
      %eq3A_97 = arith.cmpi eq, %add3A_95, %iota3A_96 : vector<256x2048xi32>
      %add3A_98 = arith.constant 1.000000e+06 : f32
      %add3A_99 = vector.broadcast %add3A_98 : f32 to vector<256x2048xf32>
      %add3A_100 = arith.addf %add3A_91, %add3A_99 : vector<256x2048xf32>
      %select_n3A = arith.select %eq3A_97, %add3A_100, %add3A_91 : vector<256x2048xi1>, vector<256x2048xf32>
      %reduce_min3A_101 = arith.constant dense<0x7F800000> : vector<256xf32>
      %reduce_min3A_102 = vector.multi_reduction <minimumf>, %select_n3A, %reduce_min3A_101 [1] : vector<256x2048xf32> to vector<256xf32>
      %broadcast_in_dim3A_103 = vector.shape_cast %reduce_min3A_102 : vector<256xf32> to vector<256x1xf32>
      %le3A = vector.broadcast %broadcast_in_dim3A_103 : vector<256x1xf32> to vector<256x2048xf32>
      %le3A_104 = arith.cmpf ole, %select_n3A, %le3A : vector<256x2048xf32>
      %jit3A = arith.constant 0x7F800000 : f32
      %broadcast_in_dim3A_105 = vector.broadcast %jit3A : f32 to vector<256x2048xf32>
      %select_n3A_106 = arith.select %le3A_104, %broadcast_in_dim3A_105, %select_n3A : vector<256x2048xi1>, vector<256x2048xf32>
      %reduce_min3A_107 = arith.constant dense<0x7F800000> : vector<256xf32>
      %reduce_min3A_108 = vector.multi_reduction <minimumf>, %select_n3A_106, %reduce_min3A_107 [1] : vector<256x2048xf32> to vector<256xf32>
      %broadcast_in_dim3A_109 = vector.shape_cast %reduce_min3A_108 : vector<256xf32> to vector<256x1xf32>
      %le3A_110 = vector.broadcast %broadcast_in_dim3A_109 : vector<256x1xf32> to vector<256x2048xf32>
      %le3A_111 = arith.cmpf ole, %select_n3A_106, %le3A_110 : vector<256x2048xf32>
      %jit3A_112 = arith.constant 0x7F800000 : f32
      %broadcast_in_dim3A_113 = vector.broadcast %jit3A_112 : f32 to vector<256x2048xf32>
      %select_n3A_114 = arith.select %le3A_111, %broadcast_in_dim3A_113, %select_n3A_106 : vector<256x2048xi1>, vector<256x2048xf32>
      %reduce_min3A_115 = arith.constant dense<0x7F800000> : vector<256xf32>
      %reduce_min3A_116 = vector.multi_reduction <minimumf>, %select_n3A_114, %reduce_min3A_115 [1] : vector<256x2048xf32> to vector<256xf32>
      %broadcast_in_dim3A_117 = vector.shape_cast %reduce_min3A_116 : vector<256xf32> to vector<256x1xf32>
      %le3A_118 = vector.broadcast %broadcast_in_dim3A_117 : vector<256x1xf32> to vector<256x2048xf32>
      %le3A_119 = arith.cmpf ole, %select_n3A_114, %le3A_118 : vector<256x2048xf32>
      %jit3A_120 = arith.constant 0x7F800000 : f32
      %broadcast_in_dim3A_121 = vector.broadcast %jit3A_120 : f32 to vector<256x2048xf32>
      %select_n3A_122 = arith.select %le3A_119, %broadcast_in_dim3A_121, %select_n3A_114 : vector<256x2048xi1>, vector<256x2048xf32>
      %reduce_min3A_123 = arith.constant dense<0x7F800000> : vector<256xf32>
      %reduce_min3A_124 = vector.multi_reduction <minimumf>, %select_n3A_122, %reduce_min3A_123 [1] : vector<256x2048xf32> to vector<256xf32>
      %broadcast_in_dim3A_125 = vector.shape_cast %reduce_min3A_124 : vector<256xf32> to vector<256x1xf32>
      %le3A_126 = vector.broadcast %broadcast_in_dim3A_125 : vector<256x1xf32> to vector<256x2048xf32>
      %le3A_127 = arith.cmpf ole, %select_n3A_122, %le3A_126 : vector<256x2048xf32>
      %jit3A_128 = arith.constant 0x7F800000 : f32
      %broadcast_in_dim3A_129 = vector.broadcast %jit3A_128 : f32 to vector<256x2048xf32>
      %select_n3A_130 = arith.select %le3A_127, %broadcast_in_dim3A_129, %select_n3A_122 : vector<256x2048xi1>, vector<256x2048xf32>
      %reduce_min3A_131 = arith.constant dense<0x7F800000> : vector<256xf32>
      %reduce_min3A_132 = vector.multi_reduction <minimumf>, %select_n3A_130, %reduce_min3A_131 [1] : vector<256x2048xf32> to vector<256xf32>
      %broadcast_in_dim3A_133 = vector.shape_cast %reduce_min3A_132 : vector<256xf32> to vector<256x1xf32>
      %le3A_134 = vector.broadcast %broadcast_in_dim3A_133 : vector<256x1xf32> to vector<256x2048xf32>
      %le3A_135 = arith.cmpf ole, %select_n3A_130, %le3A_134 : vector<256x2048xf32>
      %jit3A_136 = arith.constant 0x7F800000 : f32
      %broadcast_in_dim3A_137 = vector.broadcast %jit3A_136 : f32 to vector<256x2048xf32>
      %select_n3A_138 = arith.select %le3A_135, %broadcast_in_dim3A_137, %select_n3A_130 : vector<256x2048xi1>, vector<256x2048xf32>
      %reduce_min3A_139 = arith.constant dense<0x7F800000> : vector<256xf32>
      %reduce_min3A_140 = vector.multi_reduction <minimumf>, %select_n3A_138, %reduce_min3A_139 [1] : vector<256x2048xf32> to vector<256xf32>
      %broadcast_in_dim3A_141 = vector.shape_cast %reduce_min3A_140 : vector<256xf32> to vector<256x1xf32>
      %le3A_142 = vector.broadcast %broadcast_in_dim3A_141 : vector<256x1xf32> to vector<256x2048xf32>
      %le3A_143 = arith.cmpf ole, %select_n3A_138, %le3A_142 : vector<256x2048xf32>
      %jit3A_144 = arith.constant 0x7F800000 : f32
      %broadcast_in_dim3A_145 = vector.broadcast %jit3A_144 : f32 to vector<256x2048xf32>
      %select_n3A_146 = arith.select %le3A_143, %broadcast_in_dim3A_145, %select_n3A_138 : vector<256x2048xi1>, vector<256x2048xf32>
      %reduce_min3A_147 = arith.constant dense<0x7F800000> : vector<256xf32>
      %reduce_min3A_148 = vector.multi_reduction <minimumf>, %select_n3A_146, %reduce_min3A_147 [1] : vector<256x2048xf32> to vector<256xf32>
      %broadcast_in_dim3A_149 = vector.shape_cast %reduce_min3A_148 : vector<256xf32> to vector<256x1xf32>
      %le3A_150 = vector.broadcast %broadcast_in_dim3A_149 : vector<256x1xf32> to vector<256x2048xf32>
      %le3A_151 = arith.cmpf ole, %select_n3A_146, %le3A_150 : vector<256x2048xf32>
      %jit3A_152 = arith.constant 0x7F800000 : f32
      %broadcast_in_dim3A_153 = vector.broadcast %jit3A_152 : f32 to vector<256x2048xf32>
      %select_n3A_154 = arith.select %le3A_151, %broadcast_in_dim3A_153, %select_n3A_146 : vector<256x2048xi1>, vector<256x2048xf32>
      %reduce_min3A_155 = arith.constant dense<0x7F800000> : vector<256xf32>
      %reduce_min3A_156 = vector.multi_reduction <minimumf>, %select_n3A_154, %reduce_min3A_155 [1] : vector<256x2048xf32> to vector<256xf32>
      %broadcast_in_dim3A_157 = vector.shape_cast %reduce_min3A_156 : vector<256xf32> to vector<256x1xf32>
      %le3A_158 = vector.broadcast %broadcast_in_dim3A_157 : vector<256x1xf32> to vector<256x2048xf32>
      %le3A_159 = arith.cmpf ole, %select_n3A, %le3A_158 : vector<256x2048xf32>
      %convert_element_type3A_160 = arith.extui %le3A_159 : vector<256x2048xi1> to vector<256x2048xi32>
      %convert_element_type3A_161 = arith.sitofp %convert_element_type3A_160 : vector<256x2048xi32> to vector<256x2048xf32>
      %reduce_sum3A = arith.constant dense<0.000000e+00> : vector<256xf32>
      %reduce_sum3A_162 = vector.multi_reduction <add>, %convert_element_type3A_161, %reduce_sum3A [1] : vector<256x2048xf32> to vector<256xf32>
      %broadcast_in_dim3A_163 = vector.shape_cast %reduce_sum3A_162 : vector<256xf32> to vector<256x1xf32>
      %slice3A_164 = vector.extract_strided_slice %get3A_8 {offsets = [0, 0], sizes = [1, 2048], strides = [1, 1]} : vector<3x2048xf32> to vector<1x2048xf32>
      %mul3A_165 = vector.broadcast %slice3A_164 : vector<1x2048xf32> to vector<256x2048xf32>
      %mul3A_166 = arith.mulf %convert_element_type3A_161, %mul3A_165 : vector<256x2048xf32>
      %reduce_sum3A_167 = arith.constant dense<0.000000e+00> : vector<256xf32>
      %reduce_sum3A_168 = vector.multi_reduction <add>, %mul3A_166, %reduce_sum3A_167 [1] : vector<256x2048xf32> to vector<256xf32>
      %broadcast_in_dim3A_169 = vector.shape_cast %reduce_sum3A_168 : vector<256xf32> to vector<256x1xf32>
      %slice3A_170 = vector.extract_strided_slice %get3A_8 {offsets = [1, 0], sizes = [1, 2048], strides = [1, 1]} : vector<3x2048xf32> to vector<1x2048xf32>
      %mul3A_171 = vector.broadcast %slice3A_170 : vector<1x2048xf32> to vector<256x2048xf32>
      %mul3A_172 = arith.mulf %convert_element_type3A_161, %mul3A_171 : vector<256x2048xf32>
      %reduce_sum3A_173 = arith.constant dense<0.000000e+00> : vector<256xf32>
      %reduce_sum3A_174 = vector.multi_reduction <add>, %mul3A_172, %reduce_sum3A_173 [1] : vector<256x2048xf32> to vector<256xf32>
      %broadcast_in_dim3A_175 = vector.shape_cast %reduce_sum3A_174 : vector<256xf32> to vector<256x1xf32>
      %slice3A_176 = vector.extract_strided_slice %get3A_8 {offsets = [2, 0], sizes = [1, 2048], strides = [1, 1]} : vector<3x2048xf32> to vector<1x2048xf32>
      %mul3A_177 = vector.broadcast %slice3A_176 : vector<1x2048xf32> to vector<256x2048xf32>
      %mul3A_178 = arith.mulf %convert_element_type3A_161, %mul3A_177 : vector<256x2048xf32>
      %reduce_sum3A_179 = arith.constant dense<0.000000e+00> : vector<256xf32>
      %reduce_sum3A_180 = vector.multi_reduction <add>, %mul3A_178, %reduce_sum3A_179 [1] : vector<256x2048xf32> to vector<256xf32>
      %broadcast_in_dim3A_181 = vector.shape_cast %reduce_sum3A_180 : vector<256xf32> to vector<256x1xf32>
      %div3A = arith.divf %broadcast_in_dim3A_169, %broadcast_in_dim3A_163 : vector<256x1xf32>
      %sub3A_182 = arith.subf %slice3A, %div3A : vector<256x1xf32>
      %div3A_183 = arith.divf %broadcast_in_dim3A_175, %broadcast_in_dim3A_163 : vector<256x1xf32>
      %sub3A_184 = arith.subf %slice3A_14, %div3A_183 : vector<256x1xf32>
      %div3A_185 = arith.divf %broadcast_in_dim3A_181, %broadcast_in_dim3A_163 : vector<256x1xf32>
      %sub3A_186 = arith.subf %slice3A_15, %div3A_185 : vector<256x1xf32>
      %get3A_187 = arith.constant 0 : index
      %get3A_188 = arith.constant 0 : index
      %get3A_189 = vector.load %arg11[%get3A_187, %get3A_188] : memref<256x1xf32, #tpu.memory_space<vmem>>, vector<256x1xf32>
      %mul3A_190 = arith.mulf %sub3A_182, %sub3A_182 : vector<256x1xf32>
      %mul3A_191 = arith.mulf %sub3A_184, %sub3A_184 : vector<256x1xf32>
      %add3A_192 = arith.addf %mul3A_190, %mul3A_191 : vector<256x1xf32>
      %mul3A_193 = arith.mulf %sub3A_186, %sub3A_186 : vector<256x1xf32>
      %add3A_194 = arith.addf %add3A_192, %mul3A_193 : vector<256x1xf32>
      %add3A_195 = arith.addf %get3A_189, %add3A_194 : vector<256x1xf32>
      %swap3A_196 = arith.constant 0 : index
      %swap3A_197 = arith.constant 0 : index
      %swap3A_198 = vector.load %arg11[%swap3A_196, %swap3A_197] : memref<256x1xf32, #tpu.memory_space<vmem>>, vector<256x1xf32>
      tpu.vector_store %arg11[%swap3A_196, %swap3A_197], %add3A_195 {strides = array<i32>} : memref<256x1xf32, #tpu.memory_space<vmem>>, vector<256x1xf32>,
    } else {
    }
    %eq3A_62 = arith.constant 0 : i32
    %eq3A_63 = arith.cmpi eq, %arg1, %eq3A_62 : i32
    %convert_element_type3A_64 = arith.extui %eq3A_63 : i1 to i32
    %cond3A_65 = arith.constant 0 : i32
    %cond3A_66 = arith.cmpi ne, %convert_element_type3A_64, %cond3A_65 : i32
    scf.if %cond3A_66 {
      %get3A_75 = arith.constant 0 : index
      %get3A_76 = arith.constant 0 : index
      %get3A_77 = arith.constant 0 : index
      %get3A_78 = vector.load %arg5[%get3A_75, %get3A_76, %get3A_77] : memref<1x1x512xf32, #tpu.memory_space<vmem>>, vector<1x1x512xf32>
      %get3A_79 = arith.constant 0 : index
      %get3A_80 = arith.constant 0 : index
      %get3A_81 = arith.constant 0 : index
      %get3A_82 = vector.load %arg6[%get3A_79, %get3A_80, %get3A_81] : memref<1x1x512xf32, #tpu.memory_space<vmem>>, vector<1x1x512xf32>
      %mul3A_83 = arith.mulf %get3A_78, %get3A_78 : vector<1x1x512xf32>
      %reduce_sum3A = vector.shape_cast %mul3A_83 : vector<1x1x512xf32> to vector<1x1x1x512xf32>
      %reduce_sum3A_84 = arith.constant dense<0.000000e+00> : vector<1xf32>
      %reduce_sum3A_85 = vector.multi_reduction <add>, %reduce_sum3A, %reduce_sum3A_84 [1, 2, 3] : vector<1x1x1x512xf32> to vector<1xf32>
      %reduce_sum3A_86 = vector.shape_cast %reduce_sum3A_85 : vector<1xf32> to vector<1x1x1x1xf32>
      %reduce_sum3A_87 = vector.extract %reduce_sum3A_86[0, 0, 0, 0] : f32 from vector<1x1x1x1xf32>
      %sqrt3A = math.sqrt %reduce_sum3A_87 : f32
      %max3A = arith.constant 9.99999996E-13 : f32
      %max3A_88 = arith.maximumf %sqrt3A, %max3A : f32
      %mul3A_89 = arith.mulf %get3A_82, %get3A_82 : vector<1x1x512xf32>
      %reduce_sum3A_90 = vector.shape_cast %mul3A_89 : vector<1x1x512xf32> to vector<1x1x1x512xf32>
      %reduce_sum3A_91 = arith.constant dense<0.000000e+00> : vector<1xf32>
      %reduce_sum3A_92 = vector.multi_reduction <add>, %reduce_sum3A_90, %reduce_sum3A_91 [1, 2, 3] : vector<1x1x1x512xf32> to vector<1xf32>
      %reduce_sum3A_93 = vector.shape_cast %reduce_sum3A_92 : vector<1xf32> to vector<1x1x1x1xf32>
      %reduce_sum3A_94 = vector.extract %reduce_sum3A_93[0, 0, 0, 0] : f32 from vector<1x1x1x1xf32>
      %sqrt3A_95 = math.sqrt %reduce_sum3A_94 : f32
      %max3A_96 = arith.constant 9.99999996E-13 : f32
      %max3A_97 = arith.maximumf %sqrt3A_95, %max3A_96 : f32
      %get3A_98 = arith.constant 3 : index
      %get3A_99 = memref.load %arg9[%get3A_98] : memref<4xf32, #tpu.memory_space<smem>>
      %mul3A_100 = arith.mulf %get3A_78, %get3A_82 : vector<1x1x512xf32>
      %reduce_sum3A_101 = vector.shape_cast %mul3A_100 : vector<1x1x512xf32> to vector<1x1x1x512xf32>
      %reduce_sum3A_102 = arith.constant dense<0.000000e+00> : vector<1xf32>
      %reduce_sum3A_103 = vector.multi_reduction <add>, %reduce_sum3A_101, %reduce_sum3A_102 [1, 2, 3] : vector<1x1x1x512xf32> to vector<1xf32>
      %reduce_sum3A_104 = vector.shape_cast %reduce_sum3A_103 : vector<1xf32> to vector<1x1x1x1xf32>
      %reduce_sum3A_105 = vector.extract %reduce_sum3A_104[0, 0, 0, 0] : f32 from vector<1x1x1x1xf32>
      %mul3A_106 = arith.mulf %max3A_88, %max3A_97 : f32
      %div3A = arith.divf %reduce_sum3A_105, %mul3A_106 : f32
      %add3A_107 = arith.addf %get3A_99, %div3A : f32
      %swap3A_108 = arith.constant 3 : index
      %swap3A_109 = memref.load %arg9[%swap3A_108] : memref<4xf32, #tpu.memory_space<smem>>
      memref.store %add3A_107, %arg9[%swap3A_108] : memref<4xf32, #tpu.memory_space<smem>>
    } else {
    }
    %eq3A_67 = arith.constant 3 : i32
    %eq3A_68 = arith.cmpi eq, %arg0, %eq3A_67 : i32
    %eq3A_69 = arith.constant 7 : i32
    %eq3A_70 = arith.cmpi eq, %arg1, %eq3A_69 : i32
    %and3A_71 = arith.andi %eq3A_68, %eq3A_70 : i1
    %convert_element_type3A_72 = arith.extui %and3A_71 : i1 to i32
    %cond3A_73 = arith.constant 0 : i32
    %cond3A_74 = arith.cmpi ne, %convert_element_type3A_72, %cond3A_73 : i32
    scf.if %cond3A_74 {
      %get3A_75 = arith.constant 0 : index
      %get3A_76 = arith.constant 0 : index
      %get3A_77 = vector.load %arg10[%get3A_75, %get3A_76] : memref<256x1xf32, #tpu.memory_space<vmem>>, vector<256x1xf32>
      %reduce_sum3A = vector.shape_cast %get3A_77 : vector<256x1xf32> to vector<1x256x1xf32>
      %reduce_sum3A_78 = arith.constant dense<0.000000e+00> : vector<1xf32>
      %reduce_sum3A_79 = vector.multi_reduction <add>, %reduce_sum3A, %reduce_sum3A_78 [1, 2] : vector<1x256x1xf32> to vector<1xf32>
      %reduce_sum3A_80 = vector.shape_cast %reduce_sum3A_79 : vector<1xf32> to vector<1x1x1xf32>
      %reduce_sum3A_81 = vector.extract %reduce_sum3A_80[0, 0, 0] : f32 from vector<1x1x1xf32>
      %swap3A_82 = arith.constant 0 : index
      %swap3A_83 = arith.constant 0 : index
      %swap3A_84 = memref.load %arg7[%swap3A_82, %swap3A_83] : memref<1x4xf32, #tpu.memory_space<smem>>
      memref.store %reduce_sum3A_81, %arg7[%swap3A_82, %swap3A_83] : memref<1x4xf32, #tpu.memory_space<smem>>
      %get3A_85 = arith.constant 1 : index
      %get3A_86 = memref.load %arg9[%get3A_85] : memref<4xf32, #tpu.memory_space<smem>>
      %swap3A_87 = arith.constant 0 : index
      %swap3A_88 = arith.constant 1 : index
      %swap3A_89 = memref.load %arg7[%swap3A_87, %swap3A_88] : memref<1x4xf32, #tpu.memory_space<smem>>
      memref.store %get3A_86, %arg7[%swap3A_87, %swap3A_88] : memref<1x4xf32, #tpu.memory_space<smem>>
      %get3A_90 = arith.constant 0 : index
      %get3A_91 = arith.constant 0 : index
      %get3A_92 = vector.load %arg11[%get3A_90, %get3A_91] : memref<256x1xf32, #tpu.memory_space<vmem>>, vector<256x1xf32>
      %reduce_sum3A_93 = vector.shape_cast %get3A_92 : vector<256x1xf32> to vector<1x256x1xf32>
      %reduce_sum3A_94 = arith.constant dense<0.000000e+00> : vector<1xf32>
      %reduce_sum3A_95 = vector.multi_reduction <add>, %reduce_sum3A_93, %reduce_sum3A_94 [1, 2] : vector<1x256x1xf32> to vector<1xf32>
      %reduce_sum3A_96 = vector.shape_cast %reduce_sum3A_95 : vector<1xf32> to vector<1x1x1xf32>
      %reduce_sum3A_97 = vector.extract %reduce_sum3A_96[0, 0, 0] : f32 from vector<1x1x1xf32>
      %swap3A_98 = arith.constant 0 : index
      %swap3A_99 = arith.constant 2 : index
      %swap3A_100 = memref.load %arg7[%swap3A_98, %swap3A_99] : memref<1x4xf32, #tpu.memory_space<smem>>
      memref.store %reduce_sum3A_97, %arg7[%swap3A_98, %swap3A_99] : memref<1x4xf32, #tpu.memory_space<smem>>
      %get3A_101 = arith.constant 3 : index
      %get3A_102 = memref.load %arg9[%get3A_101] : memref<4xf32, #tpu.memory_space<smem>>
      %swap3A_103 = arith.constant 0 : index
      %swap3A_104 = arith.constant 3 : index
      %swap3A_105 = memref.load %arg7[%swap3A_103, %swap3A_104] : memref<1x4xf32, #tpu.memory_space<smem>>
      memref.store %get3A_102, %arg7[%swap3A_103, %swap3A_104] : memref<1x4xf32, #tpu.memory_space<smem>>
    } else {
    }
    return
  }
  func.func @transform_0(%arg0: i32, %arg1: i32) -> (i32, i32, i32) {
    %c0_i32 = arith.constant 0 : i32
    %c0_i32_0 = arith.constant 0 : i32
    return %arg0, %arg1, %c0_i32 : i32, i32, i32
  }
  func.func @transform_1(%arg0: i32, %arg1: i32) -> (i32, i32, i32) {
    %c0_i32 = arith.constant 0 : i32
    %c0_i32_0 = arith.constant 0 : i32
    %c0_i32_1 = arith.constant 0 : i32
    return %arg0, %c0_i32, %c0_i32_0 : i32, i32, i32
  }
  func.func @transform_2(%arg0: i32, %arg1: i32) -> (i32, i32, i32) {
    %c0_i32 = arith.constant 0 : i32
    %c0_i32_0 = arith.constant 0 : i32
    %c0_i32_1 = arith.constant 0 : i32
    return %arg0, %c0_i32, %c0_i32_0 : i32, i32, i32
  }
  func.func @transform_3(%arg0: i32, %arg1: i32) -> (i32, i32, i32) {
    %c0_i32 = arith.constant 0 : i32
    %c0_i32_0 = arith.constant 0 : i32
    %c0_i32_1 = arith.constant 0 : i32
    return %arg0, %c0_i32, %c0_i32_0 : i32, i32, i32
  }
  func.func @transform_4(%arg0: i32, %arg1: i32) -> (i32, i32, i32) {
    %c0_i32 = arith.constant 0 : i32
    %c0_i32_0 = arith.constant 0 : i32
    %c0_i32_1 = arith.constant 0 : i32
    return %arg0, %c0_i32, %c0_i32_0 : i32, i32, i32
  }
  func.func @transform_5(%arg0: i32, %arg1: i32) -> (i32, i32) {
    %c0_i32 = arith.constant 0 : i32
    %c0_i32_0 = arith.constant 0 : i32
    %c0_i32_1 = arith.constant 0 : i32
    return %c0_i32, %c0_i32_0 : i32, i32
  }
}

</mosaic_0001>

<sc_bundles>
// kernel: kernel.4.cloned.1.call-start
scs
__scs_entry_jumppad:
0x0: {  	(pc) =	sbr.rel $0x88, $3  }
0x1: {  	(tag) =	ssettag $0x0;
	lr =	simm.s32 $0x1  }
0x2: {  	[smem:$0x3F9D] =	sst lr;
	_ =	strace $0xD0000000  }
0x3: {  	_ = 	snop  }
0x4: {  	_ = 	snop  }
0x5: {  	_ = 	snop  }
0x6: {  	_ = 	snop  }
0x7: {  	_ = 	snop  }
__scs_overlays_trampoline_lowered:
0x8: {  	[smem:$0x3FAC] =	sst s0  }
0x9: {  	[smem:$0x3FAD] =	sst s1  }
0xa: {  	[smem:$0x3FAE] =	sst s2  }
0xb: {  	[smem:$0x3FAF] =	sst s3  }
0xc: {  	[smem:$0x3FB0] =	sst s4  }
0xd: {  	[smem:$0x3FB1] =	sst s5  }
0xe: {  	[smem:$0x3FB2] =	sst s6  }
0xf: {  	[smem:$0x3FB3] =	sst s7  }
0x10: {  	[smem:$0x3FB4] =	sst s8  }
0x11: {  	[smem:$0x3FB5] =	sst s9;
	s0 =	simm.s32 @!p0 $0x0  }
0x12: {  	s1 =	sld [smem:$0x3F9B];
	s0 =	simm.s32 @p0 $0x1  }
0x13: {  	[smem:$0x3FB6] =	sst s0;
	s0 =	simm.s32 @!p1 $0x0  }
0x14: {  	s2 =	sld [smem:$0x3F9A];
	s0 =	simm.s32 @p1 $0x1  }
0x15: {  	[smem:$0x3FB7] =	sst s0;
	s0 =	simm.s32 @!p2 $0x0  }
0x16: {  	s3 =	sld [smem:$0x3FDB];
	s0 =	simm.s32 @p2 $0x1  }
0x17: {  	s4 =	simm.s32 $0x1BF5;
	[smem:$0x3FB9] =	sst s0  }
0x18: {  	s0 =	sld [smem:$0x3F9C];
	_ =	swait.ge [sflag:s4], $0x0  }
0x19: {  	s7 =	sld [smem:$0x3F9D]  }
0x1a: {  	s8 =	sadd.s32 $0xFFFFE003, lr  }
0x1b: {  	s9 =	sadd.s32 $0xFFFFFEF7, lr;
	s5 =	simm.s32 $0xFFFFFFFF;
	p2 =	slt.u32 s8, $0xFFFFF086  }
0x1c: {  	p1 =	slt.u32 s9, $0xF7A;
	s5 =	simm.s32 @!p2 $0x0  }
0x1d: {  	s5 =	simm.s32 @p1 $0x1;
	p0 =	seq.s32 s7, s2  }
0x1e: {  	s7 =	smul.u32 @!p0 $0xF7A, s2;
	p2 =	seq.s32 @!p0 s5, $0x0  }
0x1f: {  	s9 =	smul.u32 $0xF7A, s1;
	s8 =	simm.s32 @!p0 $0x1BF5;
	p2 =	por !p2, p0  }
0x20: {  	[sflag:s8] =	ssyncset.s32 @!p0 $0xFFFFF086;
	s6 =	sadd.s32 @!p0 s3, s7;
	s7 =	simm.s32 @!p0 $0x108  }
0x21: {  	s3 =	sadd.s32 s3, s9;
	s6 =	sadd.s32 @!p0 $0x88, s6;
	s7 =	simm.s32 @p2 $0x1082  }
0x22: {  	[simem:s7], [sflag:s8] =	dma.local @!p0 [hbm:s6], $0xF7A  }
0x23: {  	s9 =	sor.u32 $0xD0000000, s2;
	s6 =	simm.s32 $0x108;
	_ =	swait.ge @!p0 [sflag:s8], $0x0  }
0x24: {  	s3 =	sadd.s32 $0x88, s3;
	s6 =	simm.s32 @!p1 $0x1082;
	[sflag:s4] =	ssyncset.s32 $0xFFFFF086  }
0x25: {  	[simem:s6], [sflag:s4] =	dma.local [hbm:s3], $0xF7A  }
0x26: {  	[smem:$0x3F9D] =	sst s1;
	(tag) =	ssettag s2;
	_ =	strace s9  }
0x27: {  	s1 =	sld [smem:$0x3FAD]  }
0x28: {  	s2 =	sld [smem:$0x3FAE]  }
0x29: {  	s4 =	sld [smem:$0x3FB0]  }
0x2a: {  	p0 =	seq.s32 s5, $0x0;
	s5 =	sld [smem:$0x3FB1]  }
0x2b: {  	s6 =	sld [smem:$0x3FB2]  }
0x2c: {  	s7 =	sld [smem:$0x3FB3]  }
0x2d: {  	s3 =	simm.s32 $0x108;
	s8 =	sld [smem:$0x3FB4]  }
0x2e: {  	s3 =	simm.s32 @!p0 $0x1082;
	s9 =	sld [smem:$0x3FB5]  }
0x2f: {  	lr =	sadd.s32 s0, s3;
	s0 =	sld [smem:$0x3FAC]  }
0x30: {  	s3 =	sld [smem:$0x3FAF]  }
0x31: {  	[smem:$0x3FB8] =	sst s10  }
0x32: {  	s10 =	sld [smem:$0x3FB6];
	_ =	sdelay $0x3  }
0x33: {  	p0 =	seq.s32 s10, $0x1;
	s10 =	sld [smem:$0x3FB8];
	_ =	sdelay $0x3  }
0x34: {  	[smem:$0x3FB8] =	sst s10  }
0x35: {  	s10 =	sld [smem:$0x3FB7];
	_ =	sdelay $0x3  }
0x36: {  	p1 =	seq.s32 s10, $0x1;
	s10 =	sld [smem:$0x3FB8];
	_ =	sdelay $0x3  }
0x37: {  	[smem:$0x3FB8] =	sst s10  }
0x38: {  	s10 =	sld [smem:$0x3FB9]  }
0x39: {  	_ = 	snop;
	(pc) =	sbr.ind lr, $3  }
0x3a: {  	_ = 	snop  }
0x3b: {  	_ = 	snop  }
0x3c: {  	p2 =	seq.s32 s10, $0x1;
	s10 =	sld [smem:$0x3FB8]  }
0x3d: {  	_ =	shalt  }
0x3e: {  	_ =	shalt  }
0x3f: {  	_ =	shalt  }
0x40: {  	_ =	shalt  }
0x41: {  	_ =	shalt  }
0x42: {  	_ =	shalt  }
0x43: {  	_ =	shalt  }
0x44: {  	_ =	shalt  }
0x45: {  	_ =	shalt  }
0x46: {  	_ =	shalt  }
0x47: {  	_ =	shalt  }
0x48: {  	_ =	shalt  }
0x49: {  	_ =	shalt  }
0x4a: {  	_ =	shalt  }
0x4b: {  	_ =	shalt  }
0x4c: {  	_ =	shalt  }
0x4d: {  	_ =	shalt  }
0x4e: {  	_ =	shalt  }
0x4f: {  	_ =	shalt  }
0x50: {  	_ =	shalt  }
0x51: {  	_ =	shalt  }
0x52: {  	_ =	shalt  }
0x53: {  	_ =	shalt  }
0x54: {  	_ =	shalt  }
0x55: {  	_ =	shalt  }
0x56: {  	_ =	shalt  }
0x57: {  	_ =	shalt  }
0x58: {  	_ =	shalt  }
0x59: {  	_ =	shalt  }
0x5a: {  	_ =	shalt  }
0x5b: {  	_ =	shalt  }
0x5c: {  	_ =	shalt  }
0x5d: {  	_ =	shalt  }
0x5e: {  	_ =	shalt  }
0x5f: {  	_ =	shalt  }
0x60: {  	_ =	shalt  }
0x61: {  	_ =	shalt  }
0x62: {  	_ =	shalt  }
0x63: {  	_ =	shalt  }
0x64: {  	_ =	shalt  }
0x65: {  	_ =	shalt  }
0x66: {  	_ =	shalt  }
0x67: {  	_ =	shalt  }
0x68: {  	_ =	shalt  }
0x69: {  	_ =	shalt  }
0x6a: {  	_ =	shalt  }
0x6b: {  	_ =	shalt  }
0x6c: {  	_ =	shalt  }
0x6d: {  	_ =	shalt  }
0x6e: {  	_ =	shalt  }
0x6f: {  	_ =	shalt  }
0x70: {  	_ =	shalt  }
0x71: {  	_ =	shalt  }
0x72: {  	_ =	shalt  }
0x73: {  	_ =	shalt  }
0x74: {  	_ =	shalt  }
0x75: {  	_ =	shalt  }
0x76: {  	_ =	shalt  }
0x77: {  	_ =	shalt  }
0x78: {  	_ =	shalt  }
0x79: {  	_ =	shalt  }
0x7a: {  	_ =	shalt  }
0x7b: {  	_ =	shalt  }
0x7c: {  	_ =	shalt  }
0x7d: {  	_ =	shalt  }
0x7e: {  	_ =	shalt  }
0x7f: {  	_ =	shalt  }
0x80: {  	_ =	shalt  }
0x81: {  	_ =	shalt  }
0x82: {  	_ =	shalt  }
0x83: {  	_ =	shalt  }
0x84: {  	_ =	shalt  }
0x85: {  	_ =	shalt  }
0x86: {  	_ =	shalt  }
0x87: {  	_ =	shalt  }
.Lfunc_end0:
.L_simem_size_0:
called_computation_lowered:
.L_overlay_start_0:
0x88: {  	s2 =	sld [smem:$0x3FD9]  }
0x89: {  	s3 =	sld [smem:$0x3FFE];
	_ =	sdelay $0x1  }
0x8a: {  	s1 =	srdreg.scid  }
0x8b: {  	s0 =	sand.u32 $0x1, s1  }
0x8c: {  	s16 =	sshll.u32 s0, $0xA;
	s2 =	sadd.s32 s3, s2  }
0x8d: {  	s2 =	sadd.s32 s2, s16  }
0x8e: {  	[smem:$0x3FC4] =	sst s2  }
0x8f: {  	_ = 	snop  }
0x90: {  	(tm) =	ssettm $0x1  }
0x91: {  	s17 =	sld [smem:$0x3FFB];
	_ =	sdelay $0x3  }
0x92: {  	_ =	strace s17  }
0x93: {  	s2 =	sld [smem:$0x3FFC];
	_ =	sdelay $0x3  }
0x94: {  	_ =	strace s2  }
0x95: {  	s2 =	sld [smem:$0x3FFD];
	_ =	sdelay $0x3  }
0x96: {  	_ =	strace s2  }
0x97: {  	_ =	strace $0x8FFFFFFF  }
0x98: {  	s18 =	sld [smem:$0x3FDB];
	_ =	sdelay $0x1  }
0x99: {  	s19 =	simm.s32 $_scs_section_size  }
0x9a: {  	s4 =	simm.s32 $_size__tile_overlayer_lowered;
	s5 =	simm.s32 $_tile_overlayer_lowered  }
0x9b: {  	s22 =	simm.s32 $0x1BFF;
	s21 =	sshll.u32 s5, $0x1;
	s2 =	sadd.s32 s19, s18  }
0x9c: {  	s6 =	simm.s32 $0x0;
	s20 =	sshll.u32 s4, $0x1;
	s4 =	sadd.s32 s21, s2  }
0x9d: {  	[timem:s6], [sflag:s22] =	dma.local [hbm:s4], s20  }
0x9e: {  	_ =	swait.ge [sflag:s22], s20  }
0x9f: {  	s3 =	ssub.s32 $0x0, s20;
	[sflag:s22] =	ssyncset.done $0x0  }
0xa0: {  	[sflag:s22] =	ssyncadd.s32 s3;
	_ =	sdelay $0x1  }
0xa1: {  	s23 =	simm.s32 $0x1B8B  }
0xa2: {  	_ =	swait.ge [sflag:s23], $0x1  }
0xa3: {  	[sflag:s23] =	ssyncset.done $0x0  }
0xa4: {  	s25 =	simm.s32 $0x1B8E;
	s24 =	sld [smem:$0x3FFE];
	[sflag:s23] =	ssyncadd.s32 $0xFFFFFFFF  }
0xa5: {  	s26 =	simm.s32 $execute0_lowered;
	[smem:$0x3FD2] =	sst s25  }
0xa6: {  	s4 =	sshll.u32 s26, $0x1;
	_ =	strace $0x80000046;
	[dreg:$0x1] =	wrdreg $0xFFFFFFFF  }
0xa7: {  	s28 =	simm.s32 $_size_execute0_lowered;
	s2 =	sadd.s32 s2, s4;
	[dreg:$0x0] =	wrdreg $0x0  }
0xa8: {  	s4 =	sshll.u32 s28, $0x1;
	[dreg:$0x2] =	wrdreg s2  }
0xa9: {  	[dreg:$0x3] =	wrdreg s4  }
0xaa: {  	[dreg:$0x4] =	wrdreg $0xC0  }
0xab: {  	_ =	task [dreg:s6], $0x5FFFF  }
0xac: {  	[dreg:$0x1] =	wrdreg $0xFFFFFFFF  }
0xad: {  	[dreg:$0x0] =	wrdreg $0x60  }
0xae: {  	[dreg:$0x2] =	wrdreg s24  }
0xaf: {  	[dreg:$0x3] =	wrdreg $0x9  }
0xb0: {  	_ =	task.clear_ibuf [dreg:s6], $0x4FFFF;
	_ =	strace $0x90000046  }
0xb1: {  	s29 =	simm.s32 $0x9;
	_ =	strace $0x80000048  }
0xb2: {  	_ =	swait.ge [sflag:s29], $0x1  }
0xb3: {  	[sflag:s29] =	ssyncadd.s32 $0xFFFFFFFF  }
0xb4: {  	_ =	strace $0x90000048  }
0xb5: {  	_ =	sfence  }
0xb6: {  	s30 =	sld [smem:$0x0];
	_ =	sdelay $0x2  }
0xb7: {  	s31 =	sshll.u32 s1, $0xD;
	s1 =	sshrl.u32 s1, $0x2  }
0xb8: {  	s3 =	sand.u32 $0x4000, s31;
	s1 =	sadd.s32 s1, s30  }
0xb9: {  	s0 =	sor.u32 s3, s0;
	s1 =	sshll.u32 s1, $0x11  }
0xba: {  	s0 =	sor.u32 s1, s0  }
0xbb: {  	s0 =	sadd.s32 $0x8F2B, s0  }
0xbc: {  	[sflag:s0] =	ssyncadd.remote.s32 $0x1  }
0xbd: {  	_ =	sfence.sel $0xFFFF  }
0xbe: {  	[dreg:$0x0] =	wrdreg $0xFFFFFFFF;
	(pc) =	sbr.abs _section_cstart, $3  }
0xbf: {  	[dreg:$0x1] =	wrdreg $0xFFFFFFFF  }
0xc0: {  	_ =	task.clear_ibuf [dreg:s6], $0x2FFFF;
	_ =	strace $0x9FFFFFFF  }
0xc1: {  	(tm) =	ssettm $0x7FFFFFFF  }
tec
execute0_lowered:
.L_overlay_start_1:
0x0: {  	(tag) =	ssettag $0x1  }
0x1: {  	s3 =	rddreg [dreg:$0x0]  }
0x2: {  	s0 =	rddreg [dreg:$0x1];
	s2 =	simm.s32 $0x0;
	s1 =	stileid.u32  }
0x3: {  	s5 =	srdreg.scid;
	s13 =	simm.s32 $0x1000;
	s14 =	simm.s32 $0x5800  }
0x4: {  	s15 =	simm.s32 $0x0;
	[smem:$0x7FF] =	sst s2;
	s4 =	sshrl.u32 s1, $0x2  }
0x5: {  	s5 =	sand.u32 $0x1, s5;
	s7 =	sshll.u32 s1, $0x1;
	s6 =	smul.u32 $0x1800, s4  }
0x6: {  	s9 =	sadd.s32 $0x800, s3;
	s8 =	smul.u32 $0x180, s4;
	_ =	strace $0x80000047  }
0x7: {  	s7 =	sor.u32 s5, s7;
	s5 =	ssub.s32 $0x2, s5;
	s4 =	smul.u32 $0x3, s4  }
0x8: {  	s10 =	sshll.u32 s7, $0x4;
	s24 =	sshrl.u32 s5, $0x1;
	s31 =	sshll.u32 s7, $0x6  }
0x9: {  	s6 =	sor.u32 s8, s6;
	s23 =	sadd.s32 s10, s3;
	s25 =	ssub.s32 s5, s24  }
0xa: {  	s26 =	sadd.s32 $0x1, s4;
	s4 =	sadd.s32 $0x2, s4;
	s8 =	sor.u32 $0x600, s31  }
0xb: {  	s10 =	simm.s32 $0x400;
	s6 =	sand.u32 $0x4380, s6;
	s28 =	sshll.u32 s26, $0x8  }
0xc: {  	s5 =	sshll.u32 s26, $0x4;
	s11 =	sshll.u32 s4, $0x4;
	s12 =	sshll.u32 s4, $0x8  }
0xd: {  	s7 =	smax.u32 s25, $0x1;
	s6 =	sshrl.u32 s6, $0x3;
	s5 =	sand.u32 $0x70, s5  }
0xe: {  	s11 =	sand.u32 $0x70, s11;
	s29 =	sand.u32 $0x1800, s12;
	s12 =	simm.s32 $0x800  }
0xf: {  	s3 =	sadd.s32 s9, s6;
	s6 =	sand.u32 $0x1800, s28;
	s5 =	sadd.s32 s9, s5  }
0x10: {  	s30 =	sadd.s32 s9, s11;
	s9 =	simm.s32 $0x80;
	s11 =	simm.s32 $0x1  }
0x11: {  	v0 =	vlaneseq.u32;
	v1 =	vimm.f32 $0.0e+00;
	s4 =	sadd.s32 s6, s5;
	s5 =	sadd.s32 s29, s30;
	s6 =	sadd.s32 $0x1800, s23  }
.LBB2_1:
0x12: {  	[tilespmem:s2], [sflag:$0x1] =	stream.strided.gather [hbm4b:s3+s9], $0x800, s10, s9, $0x38;
	[tilespmem:$0x5880] =	vst v63  }
0x13: {  	_ =	swait.ge [sflag:s11], $0x800  }
0x14: {  	[sflag:s11] =	ssyncset.done $0x0  }
0x15: {  	[sflag:s11] =	ssyncadd.s32 $0xFFFFF800  }
0x16: {  	[tilespmem:s12], [sflag:$0x1] =	stream.strided.gather [hbm4b:s4+s9], $0x800, s10, s9, $0x38;
	[tilespmem:$0x5880] =	vst v63  }
0x17: {  	_ =	swait.ge [sflag:s11], $0x800  }
0x18: {  	[sflag:s11] =	ssyncset.done $0x0  }
0x19: {  	[sflag:s11] =	ssyncadd.s32 $0xFFFFF800  }
0x1a: {  	[tilespmem:s13], [sflag:$0x1] =	stream.strided.gather [hbm4b:s5+s9], $0x800, s10, s9, $0x38;
	[tilespmem:$0x5880] =	vst v63  }
0x1b: {  	_ =	swait.ge [sflag:s11], $0x800  }
0x1c: {  	[sflag:s11] =	ssyncset.done $0x0  }
0x1d: {  	v2 =	vimm.f32 $0.0e+00;
	s16 =	simm.s32 $0x0;
	[sflag:s11] =	ssyncadd.s32 $0xFFFFF800  }
.LBB2_2:
0x1e: {  	s17 =	sand.u32 $0x30, s16  }
0x1f: {  	s17 =	sor.u32 s8, s17  }
0x20: {  	v3 =	vld [tilespmem:s17+$0x0]  }
0x21: {  	v4 =	vld [tilespmem:s17+$0x800]  }
0x22: {  	s18 =	sand.u32 $0xF, s16  }
0x23: {  	v5 =	vmov s18;
	v6 =	vld [tilespmem:s17+$0x1000]  }
0x24: {  	vm0 =	veq.s32 v5, v0  }
0x25: {  	v5 =	vnsel vm0, $0x0, v3  }
0x26: {  	v4 =	vnsel vm0, $0x0, v4;
	(xrf2) =	vadd.scan.msk.f32 $0xffff, v5  }
0x27: {  	(xrf2) =	vadd.scan.msk.f32 $0xffff, v4  }
0x28: {  	v4 =	vnsel vm0, $0x0, v6  }
0x29: {  	(xrf2) =	vadd.scan.msk.f32 $0xffff, v4;
	_ =	sdelay $0x2  }
0x2a: {  	v4 =	vsel vm0, $0x7F800000, v3  }
0x2b: {  	s31 =	simm.s32 $0x0;
	[tilespmem:s17+$0x0] =	vst v4  }
0x2c: {  	v7 =	vld [tilespmem:s31+$0x0]  }
0x2d: {  	v8 =	vld [tilespmem:s31+$0x800]  }
0x2e: {  	v4, _, _ =	vpop (xrf2)  }
0x2f: {  	v9 =	vld [tilespmem:s31+$0x1000];
	v5, _, _ =	vpop (xrf2)  }
0x30: {  	v6 =	vbroadcast v4, $0xF;
	v5 =	vbroadcast v5, $0xF  }
0x31: {  	v4, _, _ =	vpop (xrf2)  }
0x32: {  	v4 =	vbroadcast v4, $0xF;
	v7 =	vsub.f32 v6, v7;
	v8 =	vsub.f32 v5, v8;
	_ =	sdelay $0x1  }
0x33: {  	v9 =	vsub.f32 v4, v9;
	v7 =	vmul.f32 v7, v7;
	v8 =	vmul.f32 v8, v8;
	_ =	sdelay $0x1  }
0x34: {  	v7 =	vadd.f32 v8, v7;
	v8 =	vmul.f32 v9, v9;
	_ =	sdelay $0x1  }
0x35: {  	v7 =	vadd.f32 v8, v7  }
0x36: {  	s18 =	simm.s32 $0x1800  }
0x37: {  	v12 =	vimm.f32 $+Inf;
	s19 =	simm.s32 $0x10;
	[tilespmem:s18+$0x0] =	vst v7  }
0x38: {  	v8 =	vmax.f32 v12, v7;
	v11 =	vld [tilespmem:s19+$0x0]  }
0x39: {  	v9 =	vmax.f32 v12, v8;
	v14 =	vld [tilespmem:s19+$0x800]  }
0x3a: {  	v16 =	vld [tilespmem:s19+$0x1000];
	v10 =	vmax.f32 v12, v9  }
0x3b: {  	v13 =	vmin.f32 v12, v7;
	v15 =	vmax.f32 v12, v10  }
0x3c: {  	v7 =	vmin.f32 v12, v8;
	v9 =	vmin.f32 v12, v9;
	v17 =	vmax.f32 v12, v15  }
0x3d: {  	v10 =	vmin.f32 v12, v10;
	v8 =	vmin.f32 v12, v15;
	v15 =	vmax.f32 v12, v17  }
0x3e: {  	v18 =	vmax.f32 v12, v15;
	v19 =	vsub.f32 v6, v11;
	v20 =	vsub.f32 v5, v14  }
0x3f: {  	v14 =	vmin.f32 v12, v17;
	v11 =	vmin.f32 v12, v15;
	v15 =	vsub.f32 v4, v16  }
0x40: {  	s20 =	simm.s32 $0xC0;
	s19 =	simm.s32 $0x80;
	v12 =	vmin.f32 v12, v18;
	v16 =	vmul.f32 v19, v19;
	v17 =	vmul.f32 v20, v20  }
.LBB2_3:
0x41: {  	p0 =	sne.s32 s20, $0x1FC0  }
0x42: {  	v16 =	vadd.f32 v17, v16;
	v15 =	vmul.f32 v15, v15;
	_ =	sdelay $0x1  }
0x43: {  	v15 =	vadd.f32 v15, v16  }
0x44: {  	s18 =	sadd.s32 $0x80, s18  }
0x45: {  	s21 =	sshra.s32 s19, $0x2;
	s19 =	smov.u32 s20;
	[tilespmem:s18+$0x0] =	vst v15;
	v16 =	vmax.f32 v13, v15;
	v13 =	vmin.f32 v13, v15  }
0x46: {  	v15 =	vld [tilespmem:s21+$0x0];
	v17 =	vmax.f32 v7, v16;
	v7 =	vmin.f32 v7, v16  }
0x47: {  	v16 =	vld [tilespmem:s21+$0x800];
	v18 =	vmax.f32 v9, v17;
	v9 =	vmin.f32 v9, v17  }
0x48: {  	v17 =	vmax.f32 v10, v18;
	v10 =	vmin.f32 v10, v18  }
0x49: {  	v18 =	vld [tilespmem:s21+$0x1000];
	v19 =	vmax.f32 v8, v17;
	v8 =	vmin.f32 v8, v17  }
.Ltmp0:
0x4a: {  	v17 =	vmax.f32 v14, v19;
	v14 =	vmin.f32 v14, v19;
	(pc) =	sbr.rel @p0 .LBB2_3-.Ltmp0, $3  }
0x4b: {  	v19 =	vmax.f32 v11, v17;
	v11 =	vmin.f32 v11, v17  }
0x4c: {  	v17 =	vsub.f32 v6, v15;
	v20 =	vsub.f32 v5, v16;
	v12 =	vmin.f32 v12, v19;
	_ =	sdelay $0x1  }
0x4d: {  	s20 =	sadd.s32 $0x40, s20;
	v16 =	vmul.f32 v17, v17;
	v15 =	vsub.f32 v4, v18;
	v17 =	vmul.f32 v20, v20  }
0x4e: {  	_ = 	snop  }
0x4f: {  	v16 =	vadd.f32 v17, v16;
	v15 =	vmul.f32 v15, v15;
	_ =	sdelay $0x1  }
0x50: {  	v15 =	vadd.f32 v15, v16  }
0x51: {  	s18 =	sadd.s32 $0x80, s18  }
0x52: {  	s19 =	sshra.s32 s19, $0x2;
	[tilespmem:s18+$0x0] =	vst v15  }
0x53: {  	v16 =	vld [tilespmem:s19+$0x0]  }
0x54: {  	v17 =	vld [tilespmem:s19+$0x800];
	_ =	sdelay $0x1  }
0x55: {  	v18 =	vld [tilespmem:s19+$0x1000];
	_ =	sdelay $0x2  }
0x56: {  	v19 =	vmax.f32 v13, v15;
	v16 =	vsub.f32 v6, v16;
	v17 =	vsub.f32 v5, v17  }
0x57: {  	v20 =	vmax.f32 v7, v19  }
0x58: {  	v18 =	vsub.f32 v4, v18;
	v16 =	vmul.f32 v16, v16;
	v17 =	vmul.f32 v17, v17  }
0x59: {  	v13 =	vmin.f32 v13, v15;
	v15 =	vmax.f32 v9, v20  }
0x5a: {  	v18 =	vmul.f32 v18, v18;
	v16 =	vadd.f32 v17, v16;
	v17 =	vmax.f32 v10, v15  }
0x5b: {  	v19 =	vmin.f32 v7, v19;
	v9 =	vmin.f32 v9, v20;
	v62 =	vmax.f32 v8, v17  }
0x5c: {  	v10 =	vmin.f32 v10, v15;
	v15 =	vmax.f32 v14, v62;
	v7 =	vadd.f32 v18, v16  }
0x5d: {  	v8 =	vmin.f32 v8, v17;
	v14 =	vmin.f32 v14, v62;
	v16 =	vmax.f32 v11, v15  }
0x5e: {  	v11 =	vmin.f32 v11, v15;
	v12 =	vmin.f32 v12, v16;
	v15 =	vmax.f32 v13, v7  }
0x5f: {  	v13 =	vmin.f32 v13, v7;
	v16 =	vmin.f32 v19, v15;
	v15 =	vmax.f32 v19, v15  }
0x60: {  	v17 =	vmin.f32 v9, v15;
	v9 =	vmax.f32 v9, v15;
	v15 =	vmin.f32 v13, v16  }
0x61: {  	v63 =	vmin.f32 v10, v9;
	v9 =	vmax.f32 v10, v9;
	v10 =	vmin.f32 v15, v17  }
0x62: {  	v15 =	vmin.f32 v8, v9;
	v8 =	vmax.f32 v8, v9;
	v9 =	vmin.f32 v10, v63  }
0x63: {  	v10 =	vmin.f32 v14, v8;
	v8 =	vmax.f32 v14, v8;
	v9 =	vmin.f32 v9, v15  }
0x64: {  	v14 =	vmin.f32 v11, v8;
	v8 =	vmax.f32 v11, v8;
	v9 =	vmin.f32 v9, v10  }
0x65: {  	v8 =	vmin.f32 v12, v8;
	v9 =	vmin.f32 v9, v14  }
0x66: {  	v9 =	vmin.f32 v9, v8  }
0x67: {  	(xrf0) =	vmin.scan.msk.f32 $0xffff, v9;
	_ =	sdelay $0x5  }
0x68: {  	v9, _, _ =	vpop (xrf0)  }
0x69: {  	v9 =	vbroadcast v9, $0xF;
	_ =	sdelay $0x1  }
0x6a: {  	vm0 =	vle.f32 v13, v9;
	vm1 =	vle.f32 v16, v9  }
0x6b: {  	vm15 =	vle.f32 v17, v9;
	v11 =	vsel vm0, $0x7F800000, v13;
	v12 =	vsel vm1, $0x7F800000, v16  }
0x6c: {  	vm4 =	vle.f32 v63, v9;
	v13 =	vsel vm15, $0x7F800000, v17;
	v16 =	vmin.f32 v11, v12  }
0x6d: {  	vm5 =	vle.f32 v15, v9;
	v17 =	vsel vm4, $0x7F800000, v63;
	v16 =	vmin.f32 v16, v13  }
0x6e: {  	vm6 =	vle.f32 v10, v9;
	v15 =	vsel vm5, $0x7F800000, v15;
	v16 =	vmin.f32 v16, v17  }
0x6f: {  	vm7 =	vle.f32 v14, v9;
	v10 =	vsel vm6, $0x7F800000, v10;
	v16 =	vmin.f32 v16, v15  }
0x70: {  	vm8 =	vle.f32 v8, v9;
	v14 =	vsel vm7, $0x7F800000, v14;
	v9 =	vmin.f32 v16, v10  }
0x71: {  	v8 =	vsel vm8, $0x7F800000, v8;
	v9 =	vmin.f32 v9, v14  }
0x72: {  	v9 =	vmin.f32 v9, v8  }
0x73: {  	(xrf0) =	vmin.scan.msk.f32 $0xffff, v9;
	_ =	sdelay $0x5  }
0x74: {  	v9, _, _ =	vpop (xrf0)  }
0x75: {  	v9 =	vbroadcast v9, $0xF;
	_ =	sdelay $0x1  }
0x76: {  	vm9 =	vle.f32 v11, v9;
	vm1 =	vle.f32 v12, v9  }
0x77: {  	vm10 =	vle.f32 v13, v9;
	v11 =	vsel vm9, $0x7F800000, v11;
	v12 =	vsel vm1, $0x7F800000, v12  }
0x78: {  	vm11 =	vle.f32 v17, v9;
	v13 =	vsel vm10, $0x7F800000, v13;
	v16 =	vmin.f32 v11, v12  }
0x79: {  	vm12 =	vle.f32 v15, v9;
	v17 =	vsel vm11, $0x7F800000, v17;
	v16 =	vmin.f32 v16, v13  }
0x7a: {  	vm13 =	vle.f32 v10, v9;
	v15 =	vsel vm12, $0x7F800000, v15;
	v16 =	vmin.f32 v16, v17  }
0x7b: {  	vm14 =	vle.f32 v14, v9;
	v10 =	vsel vm13, $0x7F800000, v10;
	v16 =	vmin.f32 v16, v15  }
0x7c: {  	vm15 =	vle.f32 v8, v9;
	v14 =	vsel vm14, $0x7F800000, v14;
	v9 =	vmin.f32 v16, v10  }
0x7d: {  	v8 =	vsel vm15, $0x7F800000, v8;
	v9 =	vmin.f32 v9, v14  }
0x7e: {  	v9 =	vmin.f32 v9, v8  }
0x7f: {  	(xrf0) =	vmin.scan.msk.f32 $0xffff, v9;
	_ =	sdelay $0x5  }
0x80: {  	v9, _, _ =	vpop (xrf0)  }
0x81: {  	v9 =	vbroadcast v9, $0xF;
	_ =	sdelay $0x1  }
0x82: {  	vm4 =	vle.f32 v11, v9;
	vm1 =	vle.f32 v12, v9  }
0x83: {  	vm5 =	vle.f32 v13, v9;
	v11 =	vsel vm4, $0x7F800000, v11;
	v12 =	vsel vm1, $0x7F800000, v12  }
0x84: {  	vm6 =	vle.f32 v17, v9;
	v13 =	vsel vm5, $0x7F800000, v13;
	v16 =	vmin.f32 v11, v12  }
0x85: {  	vm7 =	vle.f32 v15, v9;
	v17 =	vsel vm6, $0x7F800000, v17;
	v16 =	vmin.f32 v16, v13  }
0x86: {  	vm8 =	vle.f32 v10, v9;
	v15 =	vsel vm7, $0x7F800000, v15;
	v16 =	vmin.f32 v16, v17  }
0x87: {  	vm9 =	vle.f32 v14, v9;
	v10 =	vsel vm8, $0x7F800000, v10;
	v16 =	vmin.f32 v16, v15  }
0x88: {  	vm10 =	vle.f32 v8, v9;
	v14 =	vsel vm9, $0x7F800000, v14;
	v9 =	vmin.f32 v16, v10  }
0x89: {  	v8 =	vsel vm10, $0x7F800000, v8;
	v9 =	vmin.f32 v9, v14  }
0x8a: {  	v9 =	vmin.f32 v9, v8  }
0x8b: {  	(xrf0) =	vmin.scan.msk.f32 $0xffff, v9;
	_ =	sdelay $0x5  }
0x8c: {  	v9, _, _ =	vpop (xrf0)  }
0x8d: {  	v9 =	vbroadcast v9, $0xF;
	_ =	sdelay $0x1  }
0x8e: {  	vm11 =	vle.f32 v11, v9;
	vm1 =	vle.f32 v12, v9  }
0x8f: {  	vm12 =	vle.f32 v13, v9;
	v11 =	vsel vm11, $0x7F800000, v11;
	v12 =	vsel vm1, $0x7F800000, v12  }
0x90: {  	vm13 =	vle.f32 v17, v9;
	v13 =	vsel vm12, $0x7F800000, v13;
	v16 =	vmin.f32 v11, v12  }
0x91: {  	vm14 =	vle.f32 v15, v9;
	v17 =	vsel vm13, $0x7F800000, v17;
	v16 =	vmin.f32 v16, v13  }
0x92: {  	vm15 =	vle.f32 v10, v9;
	v15 =	vsel vm14, $0x7F800000, v15;
	v16 =	vmin.f32 v16, v17  }
0x93: {  	vm4 =	vle.f32 v14, v9;
	v10 =	vsel vm15, $0x7F800000, v10;
	v16 =	vmin.f32 v16, v15  }
0x94: {  	vm5 =	vle.f32 v8, v9;
	v14 =	vsel vm4, $0x7F800000, v14;
	v9 =	vmin.f32 v16, v10  }
0x95: {  	v8 =	vsel vm5, $0x7F800000, v8;
	v9 =	vmin.f32 v9, v14  }
0x96: {  	v9 =	vmin.f32 v9, v8  }
0x97: {  	(xrf0) =	vmin.scan.msk.f32 $0xffff, v9;
	_ =	sdelay $0x5  }
0x98: {  	v9, _, _ =	vpop (xrf0)  }
0x99: {  	v9 =	vbroadcast v9, $0xF;
	_ =	sdelay $0x1  }
0x9a: {  	vm6 =	vle.f32 v11, v9;
	vm1 =	vle.f32 v12, v9  }
0x9b: {  	vm7 =	vle.f32 v13, v9;
	v11 =	vsel vm6, $0x7F800000, v11;
	v12 =	vsel vm1, $0x7F800000, v12  }
0x9c: {  	vm8 =	vle.f32 v17, v9;
	v13 =	vsel vm7, $0x7F800000, v13;
	v16 =	vmin.f32 v11, v12  }
0x9d: {  	vm9 =	vle.f32 v15, v9;
	v17 =	vsel vm8, $0x7F800000, v17;
	v16 =	vmin.f32 v16, v13  }
0x9e: {  	vm10 =	vle.f32 v10, v9;
	v15 =	vsel vm9, $0x7F800000, v15;
	v16 =	vmin.f32 v16, v17  }
0x9f: {  	vm11 =	vle.f32 v14, v9;
	v10 =	vsel vm10, $0x7F800000, v10;
	v16 =	vmin.f32 v16, v15  }
0xa0: {  	vm12 =	vle.f32 v8, v9;
	v14 =	vsel vm11, $0x7F800000, v14;
	v9 =	vmin.f32 v16, v10  }
0xa1: {  	v8 =	vsel vm12, $0x7F800000, v8;
	v9 =	vmin.f32 v9, v14  }
0xa2: {  	v9 =	vmin.f32 v9, v8  }
0xa3: {  	(xrf0) =	vmin.scan.msk.f32 $0xffff, v9;
	_ =	sdelay $0x5  }
0xa4: {  	v9, _, _ =	vpop (xrf0)  }
0xa5: {  	v9 =	vbroadcast v9, $0xF;
	_ =	sdelay $0x1  }
0xa6: {  	vm13 =	vle.f32 v11, v9;
	vm1 =	vle.f32 v12, v9  }
0xa7: {  	vm14 =	vle.f32 v13, v9;
	v11 =	vsel vm13, $0x7F800000, v11;
	v12 =	vsel vm1, $0x7F800000, v12  }
0xa8: {  	vm15 =	vle.f32 v17, v9;
	v13 =	vsel vm14, $0x7F800000, v13;
	v16 =	vmin.f32 v11, v12  }
0xa9: {  	vm4 =	vle.f32 v15, v9;
	v17 =	vsel vm15, $0x7F800000, v17;
	v16 =	vmin.f32 v16, v13  }
0xaa: {  	vm5 =	vle.f32 v10, v9;
	v15 =	vsel vm4, $0x7F800000, v15;
	v16 =	vmin.f32 v16, v17  }
0xab: {  	vm6 =	vle.f32 v14, v9;
	v10 =	vsel vm5, $0x7F800000, v10;
	v16 =	vmin.f32 v16, v15  }
0xac: {  	vm7 =	vle.f32 v8, v9;
	v14 =	vsel vm6, $0x7F800000, v14;
	v9 =	vmin.f32 v16, v10  }
0xad: {  	v8 =	vsel vm7, $0x7F800000, v8;
	v9 =	vmin.f32 v9, v14  }
0xae: {  	v9 =	vmin.f32 v9, v8  }
0xaf: {  	(xrf0) =	vmin.scan.msk.f32 $0xffff, v9;
	_ =	sdelay $0x5  }
0xb0: {  	v9, _, _ =	vpop (xrf0)  }
0xb1: {  	v9 =	vbroadcast v9, $0xF;
	_ =	sdelay $0x1  }
0xb2: {  	vm8 =	vle.f32 v12, v9  }
0xb3: {  	v12 =	vsel vm8, $0x7F800000, v12  }
0xb4: {  	vm9 =	vle.f32 v11, v9;
	v11 =	vmin.f32 v11, v12  }
0xb5: {  	v11 =	vsel vm9, v12, v11  }
0xb6: {  	vm10 =	vle.f32 v13, v9;
	v12 =	vmin.f32 v11, v13  }
0xb7: {  	v11 =	vsel vm10, v11, v12  }
0xb8: {  	vm11 =	vle.f32 v17, v9;
	v12 =	vmin.f32 v11, v17  }
0xb9: {  	v11 =	vsel vm11, v11, v12  }
0xba: {  	vm12 =	vle.f32 v15, v9;
	v12 =	vmin.f32 v11, v15  }
0xbb: {  	v11 =	vsel vm12, v11, v12  }
0xbc: {  	vm13 =	vle.f32 v10, v9;
	v10 =	vmin.f32 v11, v10  }
0xbd: {  	v10 =	vsel vm13, v11, v10  }
0xbe: {  	vm14 =	vle.f32 v14, v9;
	v11 =	vmin.f32 v10, v14  }
0xbf: {  	v10 =	vsel vm14, v10, v11  }
0xc0: {  	vm15 =	vle.f32 v8, v9;
	v8 =	vmin.f32 v10, v8  }
0xc1: {  	v8 =	vsel vm15, v10, v8  }
0xc2: {  	(xrf0) =	vmin.scan.msk.f32 $0xffff, v8;
	_ =	sdelay $0x1  }
0xc3: {  	s18 =	sadd.s32 $0x80, s18  }
0xc4: {  	s20 =	simm.s32 $0x0;
	[tilespmem:s18+$0x0] =	vst v7  }
0xc5: {  	s18 =	simm.s32 $0x1800;
	v8 =	vld [tilespmem:s20+$0x0]  }
0xc6: {  	v14 =	vld [tilespmem:s18+$0x0]  }
0xc7: {  	v9 =	vimm.f32 $0.0e+00;
	v13 =	vld [tilespmem:s20+$0x800];
	v15 =	vimm.f32 $0.0e+00;
	v7, _, _ =	vpop (xrf0)  }
0xc8: {  	s19 =	simm.s32 $0x40;
	v11 =	vimm.f32 $0.0e+00;
	v10 =	vld [tilespmem:s20+$0x1000];
	v12 =	vbroadcast v7, $0xF;
	v7 =	vimm.f32 $0.0e+00  }
.LBB2_5:
0xc9: {  	p0 =	sne.s32 s19, $0x1FC0  }
.Ltmp1:
0xca: {  	s20 =	sshra.s32 s19, $0x2;
	v16 =	vmov v8;
	(pc) =	sbr.rel @p0 .LBB2_5-.Ltmp1, $4  }
0xcb: {  	s18 =	sadd.s32 $0x80, s18;
	v8 =	vld [tilespmem:s20+$0x0];
	vm0 =	vle.f32 v14, v12  }
0xcc: {  	s19 =	sadd.s32 $0x40, s19;
	v14 =	vld [tilespmem:s18+$0x0];
	v16 =	vnsel vm0, $0x0, v16;
	v17 =	vnsel vm0, $0x0, v13;
	v18 =	vsel vm0, $0x3F800000, v1  }
0xcd: {  	v13 =	vld [tilespmem:s20+$0x800];
	v9 =	vadd.f32 v16, v9;
	v16 =	vnsel vm0, $0x0, v10;
	v15 =	vadd.f32 v18, v15  }
0xce: {  	v11 =	vadd.f32 v17, v11;
	v10 =	vld [tilespmem:s20+$0x1000];
	v7 =	vadd.f32 v16, v7  }
0xcf: {  	_ =	sdelay $0x1  }
0xd0: {  	vm0 =	vle.f32 v14, v12  }
0xd1: {  	v12 =	vsel vm0, $0x3F800000, v1  }
0xd2: {  	v12 =	vadd.f32 v12, v15;
	_ =	sdelay $0x1  }
0xd3: {  	(xrf2) =	vadd.scan.msk.f32 $0xffff, v12;
	_ =	sdelay $0x6  }
0xd4: {  	v8 =	vnsel vm0, $0x0, v8  }
0xd5: {  	v52 =	vnsel vm0, $0x0, v13;
	v8 =	vadd.f32 v8, v9  }
0xd6: {  	v53 =	vadd.f32 v52, v11  }
0xd7: {  	v54, _, _ =	vpop (xrf2);
	(xrf2) =	vadd.scan.msk.f32 $0xffff, v8  }
0xd8: {  	v55 =	vnsel vm0, $0x0, v10;
	v56 =	vbroadcast v54, $0xF;
	(xrf2) =	vadd.scan.msk.f32 $0xffff, v53  }
0xd9: {  	v7 =	vadd.f32 v55, v7  }
0xda: {  	(erf) = vrcp.f32 v56  }
0xdb: {  	(xrf2) =	vadd.scan.msk.f32 $0xffff, v7;
	_ =	sdelay $0x5  }
0xdc: {  	v57, _, _ =	vpop (xrf2)  }
0xdd: {  	v58, _, _ =	vpop (xrf2);
	v7 =	vbroadcast v57, $0xF  }
0xde: {  	v59 =	vpop (erf)  }
0xdf: {  	v8 =	vbroadcast v58, $0xF;
	v7 =	vmul.f32 v59, v7  }
0xe0: {  	v60, _, _ =	vpop (xrf2)  }
0xe1: {  	v62 =	vbroadcast v60, $0xF;
	v61 =	vmul.f32 v59, v8;
	v6 =	vsub.f32 v6, v7;
	_ =	sdelay $0x1  }
0xe2: {  	s16 =	sadd.s32 $0x1, s16;
	v63 =	vmul.f32 v59, v62;
	v5 =	vsub.f32 v5, v61;
	v6 =	vmul.f32 v6, v6  }
0xe3: {  	p0 =	sne.s32 s16, $0x40  }
.Ltmp2:
0xe4: {  	v4 =	vsub.f32 v4, v63;
	v5 =	vmul.f32 v5, v5;
	v2 =	vadd.f32 v6, v2;
	(pc) =	sbr.rel @p0 .LBB2_2-.Ltmp2, $3  }
0xe5: {  	_ = 	snop  }
0xe6: {  	v4 =	vmul.f32 v4, v4;
	v2 =	vadd.f32 v2, v5;
	_ =	sdelay $0x1  }
0xe7: {  	[tilespmem:s17+$0x0] =	vst v3;
	v2 =	vadd.f32 v2, v4  }
0xe8: {  	s15 =	sadd.s32 $0x1, s15  }
0xe9: {  	p0 =	sne.s32 s15, s7  }
.Ltmp3:
0xea: {  	[tilespmem:$0x5800] =	vst v2;
	(pc) =	sbr.rel @p0 .LBB2_1-.Ltmp3, $4  }
0xeb: {  	[hbm4b:s6+s2] =	stream.linear.scatter [tilespmem:s14], [sflag:$0x1], $0x80, $0x38;
	[tilespmem:$0x5880] =	vst v63  }
0xec: {  	_ =	swait.ge [sflag:s11], $0x80  }
0xed: {  	[sflag:s11] =	ssyncset.done $0x0  }
0xee: {  	[sflag:s11] =	ssyncadd.s32 $0xFFFFFF80  }
0xef: {  	_ =	sfence.sel $0x180000  }
0xf0: {  	[bflag:$0x0] =	sbarrier.arrive $0xFFFF  }
0xf1: {  	p0 =	sne.s32 s1, $0x0;
	_ =	strace $0x90000047  }
0xf2: {  	s0 =	sadd.s32 @!p0 $0x100000, s0;
	[bflag:$0x2] =	sbarrier.arrive $0xFFFF  }
0xf3: {  	[sflag:s0] =	ssyncadd.tile.s32 @!p0 $0x1;
	_ =	shalt  }
.Lfunc_end2:
_tile_overlayer_lowered:
.L_overlay_start_2:
0xf4: {  	(tag) =	ssettag $0x2  }
0xf5: {  	s0 =	rddreg [dreg:$0x0];
	s2 =	stileid.u32  }
0xf6: {  	s1 =	rddreg [dreg:$0x1];
	p0 =	sne.s32 s2, $0x0  }
0xf7: {  	s3 =	rddreg [dreg:$0x2];
	[bflag:$0x3] =	sbarrier.arrive $0xFFFF;
	s2 =	simm.s32 @!p0 $0x1C01  }
0xf8: {  	[timem:s3], [sflag:s2] =	dma.local @!p0 [hbm:s0], s1  }
0xf9: {  	s0 =	simm.s32 @!p0 $0x1  }
0xfa: {  	_ =	swait.ge @!p0 [sflag:s0], s1  }
0xfb: {  	s1 =	ssub.s32 @!p0 $0x0, s1;
	[sflag:s0] =	ssyncset.done @!p0 $0x0  }
0xfc: {  	[sflag:s0] =	ssyncadd.s32 @!p0 s1  }
0xfd: {  	[bflag:$0x3] =	sbarrier.arrive $0xFFFF  }
0xfe: {  	_ =	shalt  }

</sc_bundles>
